<compile_context>
chip_gen: v7x
topology: tpu7x:2x2x1
jax: 0.10.2.dev20260603
libtpu: 0.0.44.dev20260713+nightly
codegen_flags: <defaults>
</compile_context>

<pallas_src>
import functools

import jax
import jax.numpy as jnp
from jax import lax
from jax.experimental import pallas as pl
from jax.experimental.pallas import tpu as pltpu
from jax.experimental.pallas import tpu_sc as plsc

_N = 10000
_E = 320000
_CH = 128
_NW = 32
_F32 = jnp.float32

_EP = 327680
_NP = 10240
_ROWS = 1024
_NCHUNK = _EP // _CH
_BASE = _NCHUNK // _NW
_RPT = _NP // 16


def _mesh():
    return plsc.VectorSubcoreMesh(core_axis_name="c", subcore_axis_name="s")


def _make_sc_agg(H):

    @functools.partial(
        pl.kernel,
        mesh=_mesh(),
        out_type=jax.ShapeDtypeStruct((2, _NP, H), _F32),
        scratch_types=[
            pltpu.VMEM((_CH,), jnp.int32),
            pltpu.VMEM((_CH,), jnp.int32),
            pltpu.VMEM((_CH, H), _F32),
            pltpu.VMEM_SHARED((_NP, H), _F32),
            pltpu.SemaphoreType.DMA,
        ],
    )
    def agg(hl_hbm, src_hbm, dst_hbm, z_hbm, out_hbm,
            src_v, dst_v, rows0, acc_sh, sem0):
        c = lax.axis_index("c")
        s = lax.axis_index("s")
        w = s * 2 + c

        @pl.when(s == 0)
        def _():
            pltpu.sync_copy(z_hbm, acc_sh)

        plsc.subcore_barrier()

        def body(i, carry):
            off = (i * _NW + w) * _CH
            pltpu.sync_copy(src_hbm.at[pl.ds(off, _CH)], src_v)
            pltpu.sync_copy(dst_hbm.at[pl.ds(off, _CH)], dst_v)
            pltpu.async_copy(hl_hbm.at[src_v], rows0, sem0).wait()
            pltpu.sync_copy(rows0, acc_sh.at[dst_v], add=True)
            return carry

        lax.fori_loop(0, _BASE, body, 0)

        plsc.subcore_barrier()

        @pl.when(s == 0)
        def _():
            pltpu.sync_copy(acc_sh, out_hbm.at[c])

    return agg


def _make_sc_deg():

    @functools.partial(
        pl.kernel,
        mesh=_mesh(),
        out_type=jax.ShapeDtypeStruct((2, _NP), _F32),
        scratch_types=[
            pltpu.VMEM((_BASE, _CH), jnp.int32),
            pltpu.VMEM((_CH,), _F32),
            pltpu.VMEM_SHARED((_NP,), _F32),
        ],
    )
    def deg(dst_hbm, zn_hbm, out_hbm, dsts_v, ones_v, deg_sh):
        c = lax.axis_index("c")
        s = lax.axis_index("s")
        w = s * 2 + c

        for j in range(_CH // 16):
            ones_v[pl.ds(j * 16, 16)] = jnp.full((16,), 1.0, dtype=_F32)

        @pl.when(s == 0)
        def _():
            pltpu.sync_copy(zn_hbm, deg_sh)

        pltpu.sync_copy(dst_hbm.at[pl.ds(w * _BASE, _BASE)], dsts_v)

        plsc.subcore_barrier()

        def chunk(i, carry):
            pltpu.sync_copy(ones_v, deg_sh.at[dsts_v.at[i]], add=True)
            return carry

        lax.fori_loop(0, _BASE, chunk, 0)

        plsc.subcore_barrier()

        @pl.when(s == 0)
        def _():
            pltpu.sync_copy(deg_sh, out_hbm.at[c])

    return deg



def _mm_body(x_ref, w_ref, o_ref):
    o_ref[...] = jnp.dot(x_ref[...], w_ref[...],
                         preferred_element_type=_F32)


def _tc_mm(x, w):
    n, d = x.shape
    h = w.shape[1]
    return pl.pallas_call(
        _mm_body,
        grid=(n // _ROWS,),
        in_specs=[pl.BlockSpec((_ROWS, d), lambda i: (i, 0)),
                  pl.BlockSpec((d, h), lambda i: (0, 0))],
        out_specs=pl.BlockSpec((_ROWS, h), lambda i: (i, 0)),
        out_shape=jax.ShapeDtypeStruct((n, h), _F32),
    )(x, w)


def _mid1_body(s_ref, dg_ref, x_ref, wr_ref, b_ref, wl_ref,
               h_ref, hl_ref, inv_ref):
    deg = dg_ref[0] + dg_ref[1]
    inv = 1.0 / jnp.maximum(deg, 1.0)
    agg = (s_ref[0] + s_ref[1]) * inv
    h = jnp.maximum(
        agg + jnp.dot(x_ref[...], wr_ref[...], preferred_element_type=_F32)
        + b_ref[...], 0.0)
    h_ref[...] = h
    hl_ref[...] = jnp.dot(h, wl_ref[...], preferred_element_type=_F32)
    inv_ref[...] = inv


def _tc_mid1(S, dg, x, wr, b, wl):
    n, d = x.shape
    h2 = wl.shape[1]
    return pl.pallas_call(
        _mid1_body,
        grid=(n // _ROWS,),
        in_specs=[pl.BlockSpec((2, _ROWS, d), lambda i: (0, i, 0)),
                  pl.BlockSpec((2, _ROWS, 1), lambda i: (0, i, 0)),
                  pl.BlockSpec((_ROWS, d), lambda i: (i, 0)),
                  pl.BlockSpec((d, d), lambda i: (0, 0)),
                  pl.BlockSpec((1, d), lambda i: (0, 0)),
                  pl.BlockSpec((d, h2), lambda i: (0, 0))],
        out_specs=[pl.BlockSpec((_ROWS, d), lambda i: (i, 0)),
                   pl.BlockSpec((_ROWS, h2), lambda i: (i, 0)),
                   pl.BlockSpec((_ROWS, 1), lambda i: (i, 0))],
        out_shape=[jax.ShapeDtypeStruct((n, d), _F32),
                   jax.ShapeDtypeStruct((n, h2), _F32),
                   jax.ShapeDtypeStruct((n, 1), _F32)],
    )(S, dg, x, wr, b, wl)


def _mid2_body(s_ref, inv_ref, x_ref, wr_ref, b_ref, h_ref):
    agg = (s_ref[0] + s_ref[1]) * inv_ref[...]
    h_ref[...] = jnp.maximum(
        agg + jnp.dot(x_ref[...], wr_ref[...], preferred_element_type=_F32)
        + b_ref[...], 0.0)


def _tc_mid2(S, inv, x, wr, b):
    n, d = x.shape
    return pl.pallas_call(
        _mid2_body,
        grid=(n // _ROWS,),
        in_specs=[pl.BlockSpec((2, _ROWS, d), lambda i: (0, i, 0)),
                  pl.BlockSpec((_ROWS, 1), lambda i: (i, 0)),
                  pl.BlockSpec((_ROWS, d), lambda i: (i, 0)),
                  pl.BlockSpec((d, d), lambda i: (0, 0)),
                  pl.BlockSpec((1, d), lambda i: (0, 0))],
        out_specs=pl.BlockSpec((_ROWS, d), lambda i: (i, 0)),
        out_shape=jax.ShapeDtypeStruct((n, d), _F32),
    )(S, inv, x, wr, b)


def _fin_body(s_ref, inv_ref, x_ref, wl_ref, wr_ref, b_ref, o_ref):
    agg = (s_ref[0] + s_ref[1]) * inv_ref[...]
    o_ref[...] = jnp.maximum(
        jnp.dot(agg, wl_ref[...], preferred_element_type=_F32)
        + jnp.dot(x_ref[...], wr_ref[...], preferred_element_type=_F32)
        + b_ref[...], 0.0)


def _tc_fin(S, inv, x, wl, wr, b):
    n, d = x.shape
    h = wr.shape[1]
    return pl.pallas_call(
        _fin_body,
        grid=(n // _ROWS,),
        in_specs=[pl.BlockSpec((2, _ROWS, d), lambda i: (0, i, 0)),
                  pl.BlockSpec((_ROWS, 1), lambda i: (i, 0)),
                  pl.BlockSpec((_ROWS, d), lambda i: (i, 0)),
                  pl.BlockSpec((d, h), lambda i: (0, 0)),
                  pl.BlockSpec((d, h), lambda i: (0, 0)),
                  pl.BlockSpec((1, h), lambda i: (0, 0))],
        out_specs=pl.BlockSpec((_ROWS, h), lambda i: (i, 0)),
        out_shape=jax.ShapeDtypeStruct((n, h), _F32),
    )(S, inv, x, wl, wr, b)


_sc_agg128 = _make_sc_agg(128)
_sc_deg = _make_sc_deg()


def kernel(x, edge_index, Wl1, Wr1, b1, Wl2, Wr2, b2, Wl3, Wr3, b3):
    pad_e = _EP - _E
    src = jnp.concatenate([edge_index[0], jnp.zeros((pad_e,), jnp.int32)])
    dst = jnp.concatenate([edge_index[1], jnp.full((pad_e,), _N, jnp.int32)])
    dst2d = dst.reshape(_NCHUNK, _CH)
    xp = jnp.concatenate([x, jnp.zeros((_NP - _N, 128), _F32)])
    z128 = jnp.zeros((_NP, 128), _F32)
    zn = jnp.zeros((_NP,), _F32)

    dg = _sc_deg(dst2d, zn)
    hl1 = _tc_mm(xp, Wl1)
    S1 = _sc_agg128(hl1, src, dst, z128)
    h2, hl2, inv = _tc_mid1(S1, dg.reshape(2, _NP, 1), xp,
                            Wr1, b1.reshape(1, 128), Wl2)
    S2 = _sc_agg128(hl2, src, dst, z128)
    h3 = _tc_mid2(S2, inv, h2, Wr2, b2.reshape(1, 128))
    S3 = _sc_agg128(h3, src, dst, z128)
    out = _tc_fin(S3, inv, h3, Wl3, Wr3, b3.reshape(1, 64))
    return out[:_N]

# --- scband reference (transcript-rebuilt; emitter-appended) ---
"""Pipeline reference for scband-graph-sagefraud-73212012527801 (READ-ONLY COPY).

The authoritative reference and input builder live on the scoring server;
editing this copy changes nothing except your own understanding.
"""

import jax, jax.numpy as jnp
import numpy as np

N = 10000
E = 320000
D_IN = 128
HID = 128


def setup_inputs(seed: int = 0) -> dict:
    key = jax.random.key(seed)
    ks = jax.random.split(key, 12)
    x = jax.random.normal(ks[0], (N, D_IN), dtype=jnp.float32)
    edge_index = jax.random.randint(ks[1], (2, E), 0, N, dtype=jnp.int32)
    s = 0.05
    Wl1 = jax.random.normal(ks[2], (D_IN, HID), dtype=jnp.float32) * s
    Wr1 = jax.random.normal(ks[3], (D_IN, HID), dtype=jnp.float32) * s
    b1 = jnp.zeros((HID,), dtype=jnp.float32)
    Wl2 = jax.random.normal(ks[4], (HID, HID), dtype=jnp.float32) * s
    Wr2 = jax.random.normal(ks[5], (HID, HID), dtype=jnp.float32) * s
    b2 = jnp.zeros((HID,), dtype=jnp.float32)
    Wl3 = jax.random.normal(ks[6], (HID, HID // 2), dtype=jnp.float32) * s
    Wr3 = jax.random.normal(ks[7], (HID, HID // 2), dtype=jnp.float32) * s
    b3 = jnp.zeros((HID // 2,), dtype=jnp.float32)
    return {"x": x, "edge_index": edge_index, "Wl1": Wl1, "Wr1": Wr1, "b1": b1,
            "Wl2": Wl2, "Wr2": Wr2, "b2": b2, "Wl3": Wl3, "Wr3": Wr3, "b3": b3}


def _sage_conv(x, edge_index, Wl, Wr, b):
    # PyG SAGEConv with mean aggregation:
    # out = lin_l(mean_{j in N(i)} x_j) + lin_r(x_i)
    src = edge_index[0]
    dst = edge_index[1]
    msg = jnp.take(x, src, axis=0)
    agg = jax.ops.segment_sum(msg, dst, num_segments=x.shape[0])
    deg = jax.ops.segment_sum(jnp.ones((edge_index.shape[1],), dtype=x.dtype), dst,
                              num_segments=x.shape[0])
    agg = agg / jnp.clip(deg, 1.0)[:, None]
    return agg @ Wl + x @ Wr + b


def reference(x, edge_index, Wl1, Wr1, b1, Wl2, Wr2, b2, Wl3, Wr3, b3):
    h = jax.nn.relu(_sage_conv(x, edge_index, Wl1, Wr1, b1))
    # dropout is identity in eval mode
    h = jax.nn.relu(_sage_conv(h, edge_index, Wl2, Wr2, b2))
    h = jax.nn.relu(_sage_conv(h, edge_index, Wl3, Wr3, b3))
    return h

if __name__ == "__main__":
    import jax
    _d = setup_inputs()
    print(jax.jit(kernel)(*tuple(_d.values())))

</pallas_src>

<mosaic_0001>
#map = affine_map<(d0, d1) -> (0, 0)>
#map1 = affine_map<(d0, d1) -> (0)>
#map2 = affine_map<(d0, d1) -> (0, 0, 0)>
module attributes {stable_mosaic.version = 14 : i64} {
  func.func @agg(%arg0: i32, %arg1: i32, %arg2: memref<10240x128xf32, #tpu.memory_space<hbm>>, %arg3: memref<327680xi32, #tpu.memory_space<hbm>>, %arg4: memref<327680xi32, #tpu.memory_space<hbm>>, %arg5: memref<10240x128xf32, #tpu.memory_space<hbm>>, %arg6: memref<2x10240x128xf32, #tpu.memory_space<hbm>>, %arg7: memref<128xi32, #tpu.memory_space<vmem>>, %arg8: memref<128xi32, #tpu.memory_space<vmem>>, %arg9: memref<128x128xf32, #tpu.memory_space<vmem>>, %arg10: memref<10240x128xf32, #tpu.memory_space<vmem_shared>>, %arg11: memref<!tpu.dma_semaphore, #tpu.memory_space<semaphore_mem>>) attributes {dimension_semantics = [#tpu.dimension_semantics<core_parallel>, #tpu.dimension_semantics<subcore_parallel>], iteration_bounds = array<i64: 2, 16>, scalar_prefetch = 0 : i64, scratch_operands = 5 : i64, tpu.core_type = #tpu.core_type<sc_vector_subcore>, window_params = [{transform_indices = #map}, {transform_indices = #map1}, {transform_indices = #map1}, {transform_indices = #map}, {transform_indices = #map2}]} {
    %mul3A = arith.constant 2 : i32
    %mul3A_0 = arith.muli %arg1, %mul3A : i32
    %add3A = arith.addi %mul3A_0, %arg0 : i32
    %eq3A = arith.constant 0 : i32
    %eq3A_1 = arith.cmpi eq, %arg1, %eq3A : i32
    %convert_element_type3A = arith.extui %eq3A_1 : i1 to i32
    %cond3A = arith.constant 0 : i32
    %cond3A_2 = arith.cmpi ne, %convert_element_type3A, %cond3A : i32
    scf.if %cond3A_2 {
      "tpu.region"() ({
        %run_scoped3A = tpu.sem_alloc : memref<!tpu.dma_semaphore, #tpu.memory_space<semaphore_mem>>
        tpu.enqueue_dma source(%arg5 : memref<10240x128xf32, #tpu.memory_space<hbm>>) target(%arg10 : memref<10240x128xf32, #tpu.memory_space<vmem_shared>>) target_semaphore(%run_scoped3A : memref<!tpu.dma_semaphore, #tpu.memory_space<semaphore_mem>>)
        tpu.wait_dma2 semaphore(%run_scoped3A : memref<!tpu.dma_semaphore, #tpu.memory_space<semaphore_mem>>) src(%arg5 : memref<10240x128xf32, #tpu.memory_space<hbm>>) dst(%arg10 : memref<10240x128xf32, #tpu.memory_space<vmem_shared>>)
        tpu.yield
      }) : () -> ()
    } else {
    }
    %barrier3A = arith.constant 0 : index
    tpu.barrier barrier_id(%barrier3A)
    %scan3A = arith.constant 0 : i32
    %scan3A_3 = arith.constant 0 : i32
    %scan3A_4 = arith.constant 80 : i32
    %scan3A_5 = arith.addi %scan3A_3, %scan3A_4 : i32
    %scan3A_6 = arith.constant 1 : i32
    scf.for %scan3A_14 = %scan3A_3 to %scan3A_5 step %scan3A_6  : i32 {
      %mul3A_15 = arith.constant 32 : i32
      %mul3A_16 = arith.muli %scan3A_14, %mul3A_15 : i32
      %add3A_17 = arith.addi %mul3A_16, %add3A : i32
      %mul3A_18 = arith.constant 128 : i32
      %mul3A_19 = arith.muli %add3A_17, %mul3A_18 : i32
      "tpu.region"() ({
        %run_scoped3A = tpu.sem_alloc : memref<!tpu.dma_semaphore, #tpu.memory_space<semaphore_mem>>
        %dma_start3A_24 = tpu.memref_slice %arg3[%mul3A_19] : memref<327680xi32, #tpu.memory_space<hbm>> -> memref<128xi32, #tpu.memory_space<hbm>>
        %dma_start3A_25 = tpu.memref_slice %arg3[%mul3A_19] : memref<327680xi32, #tpu.memory_space<hbm>> -> memref<128xi32, #tpu.memory_space<hbm>>
        tpu.enqueue_dma source(%dma_start3A_25 : memref<128xi32, #tpu.memory_space<hbm>>) target(%arg7 : memref<128xi32, #tpu.memory_space<vmem>>) target_semaphore(%run_scoped3A : memref<!tpu.dma_semaphore, #tpu.memory_space<semaphore_mem>>)
        %dma_wait3A_26 = tpu.memref_slice %arg3[%mul3A_19] : memref<327680xi32, #tpu.memory_space<hbm>> -> memref<128xi32, #tpu.memory_space<hbm>>
        %dma_wait3A_27 = tpu.memref_slice %arg3[%mul3A_19] : memref<327680xi32, #tpu.memory_space<hbm>> -> memref<128xi32, #tpu.memory_space<hbm>>
        tpu.wait_dma2 semaphore(%run_scoped3A : memref<!tpu.dma_semaphore, #tpu.memory_space<semaphore_mem>>) src(%dma_wait3A_27 : memref<128xi32, #tpu.memory_space<hbm>>) dst(%arg7 : memref<128xi32, #tpu.memory_space<vmem>>)
        tpu.yield
      }) : () -> ()
      "tpu.region"() ({
        %run_scoped3A = tpu.sem_alloc : memref<!tpu.dma_semaphore, #tpu.memory_space<semaphore_mem>>
        %dma_start3A_24 = tpu.memref_slice %arg4[%mul3A_19] : memref<327680xi32, #tpu.memory_space<hbm>> -> memref<128xi32, #tpu.memory_space<hbm>>
        %dma_start3A_25 = tpu.memref_slice %arg4[%mul3A_19] : memref<327680xi32, #tpu.memory_space<hbm>> -> memref<128xi32, #tpu.memory_space<hbm>>
        tpu.enqueue_dma source(%dma_start3A_25 : memref<128xi32, #tpu.memory_space<hbm>>) target(%arg8 : memref<128xi32, #tpu.memory_space<vmem>>) target_semaphore(%run_scoped3A : memref<!tpu.dma_semaphore, #tpu.memory_space<semaphore_mem>>)
        %dma_wait3A_26 = tpu.memref_slice %arg4[%mul3A_19] : memref<327680xi32, #tpu.memory_space<hbm>> -> memref<128xi32, #tpu.memory_space<hbm>>
        %dma_wait3A_27 = tpu.memref_slice %arg4[%mul3A_19] : memref<327680xi32, #tpu.memory_space<hbm>> -> memref<128xi32, #tpu.memory_space<hbm>>
        tpu.wait_dma2 semaphore(%run_scoped3A : memref<!tpu.dma_semaphore, #tpu.memory_space<semaphore_mem>>) src(%dma_wait3A_27 : memref<128xi32, #tpu.memory_space<hbm>>) dst(%arg8 : memref<128xi32, #tpu.memory_space<vmem>>)
        tpu.yield
      }) : () -> ()
      %dma_start3A = arith.constant 0 : i32
      %dma_start3A_20 = arith.constant 0 : i32
      %dma_start3A_21 = tpu.memref_slice %arg2[%dma_start3A, %dma_start3A_20] : memref<10240x128xf32, #tpu.memory_space<hbm>> -> memref<10240x128xf32, #tpu.memory_space<hbm>>
      tpu.enqueue_indirect_dma source(%dma_start3A_21 : memref<10240x128xf32, #tpu.memory_space<hbm>>) target(%arg9 : memref<128x128xf32, #tpu.memory_space<vmem>>) offsets(%arg7 : memref<128xi32, #tpu.memory_space<vmem>>) semaphore(%arg11 : memref<!tpu.dma_semaphore, #tpu.memory_space<semaphore_mem>>)
      %dma_wait3A = arith.constant 0 : i32
      %dma_wait3A_22 = arith.constant 0 : i32
      %dma_wait3A_23 = tpu.memref_slice %arg2[%dma_wait3A, %dma_wait3A_22] : memref<10240x128xf32, #tpu.memory_space<hbm>> -> memref<10240x128xf32, #tpu.memory_space<hbm>>
      tpu.wait_indirect_dma semaphore(%arg11 : memref<!tpu.dma_semaphore, #tpu.memory_space<semaphore_mem>>) src(%dma_wait3A_23 : memref<10240x128xf32, #tpu.memory_space<hbm>>) dst(%arg9 : memref<128x128xf32, #tpu.memory_space<vmem>>)
      "tpu.region"() ({
        %run_scoped3A = tpu.sem_alloc : memref<!tpu.dma_semaphore, #tpu.memory_space<semaphore_mem>>
        %dma_start3A_24 = arith.constant 0 : i32
        %dma_start3A_25 = arith.constant 0 : i32
        %dma_start3A_26 = tpu.memref_slice %arg10[%dma_start3A_24, %dma_start3A_25] : memref<10240x128xf32, #tpu.memory_space<vmem_shared>> -> memref<10240x128xf32, #tpu.memory_space<vmem_shared>>
        tpu.enqueue_indirect_dma source(%arg9 : memref<128x128xf32, #tpu.memory_space<vmem>>) target(%dma_start3A_26 : memref<10240x128xf32, #tpu.memory_space<vmem_shared>>) offsets(%arg8 : memref<128xi32, #tpu.memory_space<vmem>>) semaphore(%run_scoped3A : memref<!tpu.dma_semaphore, #tpu.memory_space<semaphore_mem>>) {add = true}
        %dma_wait3A_27 = arith.constant 0 : i32
        %dma_wait3A_28 = arith.constant 0 : i32
        %dma_wait3A_29 = tpu.memref_slice %arg10[%dma_wait3A_27, %dma_wait3A_28] : memref<10240x128xf32, #tpu.memory_space<vmem_shared>> -> memref<10240x128xf32, #tpu.memory_space<vmem_shared>>
        tpu.wait_indirect_dma semaphore(%run_scoped3A : memref<!tpu.dma_semaphore, #tpu.memory_space<semaphore_mem>>) src(%arg9 : memref<128x128xf32, #tpu.memory_space<vmem>>) dst(%dma_wait3A_29 : memref<10240x128xf32, #tpu.memory_space<vmem_shared>>)
        tpu.yield
      }) : () -> ()
    }
    %scan3A_7 = arith.constant 80 : i32
    %barrier3A_8 = arith.constant 0 : index
    tpu.barrier barrier_id(%barrier3A_8)
    %eq3A_9 = arith.constant 0 : i32
    %eq3A_10 = arith.cmpi eq, %arg1, %eq3A_9 : i32
    %convert_element_type3A_11 = arith.extui %eq3A_10 : i1 to i32
    %cond3A_12 = arith.constant 0 : i32
    %cond3A_13 = arith.cmpi ne, %convert_element_type3A_11, %cond3A_12 : i32
    scf.if %cond3A_13 {
      "tpu.region"() ({
        %run_scoped3A = tpu.sem_alloc : memref<!tpu.dma_semaphore, #tpu.memory_space<semaphore_mem>>
        %dma_start3A = arith.constant 0 : i32
        %dma_start3A_14 = arith.constant 0 : i32
        %dma_start3A_15 = tpu.memref_slice %arg6[%arg0, %dma_start3A, %dma_start3A_14] : memref<2x10240x128xf32, #tpu.memory_space<hbm>> -> memref<1x10240x128xf32, #tpu.memory_space<hbm>>
        %dma_start3A_16 = tpu.memref_squeeze %dma_start3A_15 : memref<1x10240x128xf32, #tpu.memory_space<hbm>> -> memref<10240x128xf32, #tpu.memory_space<hbm>>
        tpu.enqueue_dma source(%arg10 : memref<10240x128xf32, #tpu.memory_space<vmem_shared>>) target(%dma_start3A_16 : memref<10240x128xf32, #tpu.memory_space<hbm>>) target_semaphore(%run_scoped3A : memref<!tpu.dma_semaphore, #tpu.memory_space<semaphore_mem>>)
        %dma_wait3A = arith.constant 0 : i32
        %dma_wait3A_17 = arith.constant 0 : i32
        %dma_wait3A_18 = tpu.memref_slice %arg6[%arg0, %dma_wait3A, %dma_wait3A_17] : memref<2x10240x128xf32, #tpu.memory_space<hbm>> -> memref<1x10240x128xf32, #tpu.memory_space<hbm>>
        %dma_wait3A_19 = tpu.memref_squeeze %dma_wait3A_18 : memref<1x10240x128xf32, #tpu.memory_space<hbm>> -> memref<10240x128xf32, #tpu.memory_space<hbm>>
        tpu.wait_dma2 semaphore(%run_scoped3A : memref<!tpu.dma_semaphore, #tpu.memory_space<semaphore_mem>>) src(%arg10 : memref<10240x128xf32, #tpu.memory_space<vmem_shared>>) dst(%dma_wait3A_19 : memref<10240x128xf32, #tpu.memory_space<hbm>>)
        tpu.yield
      }) : () -> ()
    } else {
    }
    return
  }
}

#map = affine_map<(d0, d1) -> (0, 0)>
#map1 = affine_map<(d0, d1) -> (0)>
#map2 = affine_map<(d0, d1) -> (0, 0, 0)>
module attributes {stable_mosaic.version = 14 : i64} {
  func.func @agg(%arg0: i32, %arg1: i32, %arg2: memref<10240x128xf32, #tpu.memory_space<hbm>>, %arg3: memref<327680xi32, #tpu.memory_space<hbm>>, %arg4: memref<327680xi32, #tpu.memory_space<hbm>>, %arg5: memref<10240x128xf32, #tpu.memory_space<hbm>>, %arg6: memref<2x10240x128xf32, #tpu.memory_space<hbm>>, %arg7: memref<128xi32, #tpu.memory_space<vmem>>, %arg8: memref<128xi32, #tpu.memory_space<vmem>>, %arg9: memref<128x128xf32, #tpu.memory_space<vmem>>, %arg10: memref<10240x128xf32, #tpu.memory_space<vmem_shared>>, %arg11: memref<!tpu.dma_semaphore, #tpu.memory_space<semaphore_mem>>) attributes {dimension_semantics = [#tpu.dimension_semantics<core_parallel>, #tpu.dimension_semantics<subcore_parallel>], iteration_bounds = array<i64: 2, 16>, scalar_prefetch = 0 : i64, scratch_operands = 5 : i64, tpu.core_type = #tpu.core_type<sc_vector_subcore>, window_params = [{transform_indices = #map}, {transform_indices = #map1}, {transform_indices = #map1}, {transform_indices = #map}, {transform_indices = #map2}]} {
    %mul3A = arith.constant 2 : i32
    %mul3A_0 = arith.muli %arg1, %mul3A : i32
    %add3A = arith.addi %mul3A_0, %arg0 : i32
    %eq3A = arith.constant 0 : i32
    %eq3A_1 = arith.cmpi eq, %arg1, %eq3A : i32
    %convert_element_type3A = arith.extui %eq3A_1 : i1 to i32
    %cond3A = arith.constant 0 : i32
    %cond3A_2 = arith.cmpi ne, %convert_element_type3A, %cond3A : i32
    scf.if %cond3A_2 {
      "tpu.region"() ({
        %run_scoped3A = tpu.sem_alloc : memref<!tpu.dma_semaphore, #tpu.memory_space<semaphore_mem>>
        tpu.enqueue_dma source(%arg5 : memref<10240x128xf32, #tpu.memory_space<hbm>>) target(%arg10 : memref<10240x128xf32, #tpu.memory_space<vmem_shared>>) target_semaphore(%run_scoped3A : memref<!tpu.dma_semaphore, #tpu.memory_space<semaphore_mem>>)
        tpu.wait_dma2 semaphore(%run_scoped3A : memref<!tpu.dma_semaphore, #tpu.memory_space<semaphore_mem>>) src(%arg5 : memref<10240x128xf32, #tpu.memory_space<hbm>>) dst(%arg10 : memref<10240x128xf32, #tpu.memory_space<vmem_shared>>)
        tpu.yield
      }) : () -> ()
    } else {
    }
    %barrier3A = arith.constant 0 : index
    tpu.barrier barrier_id(%barrier3A)
    %scan3A = arith.constant 0 : i32
    %scan3A_3 = arith.constant 0 : i32
    %scan3A_4 = arith.constant 80 : i32
    %scan3A_5 = arith.addi %scan3A_3, %scan3A_4 : i32
    %scan3A_6 = arith.constant 1 : i32
    scf.for %scan3A_14 = %scan3A_3 to %scan3A_5 step %scan3A_6  : i32 {
      %mul3A_15 = arith.constant 32 : i32
      %mul3A_16 = arith.muli %scan3A_14, %mul3A_15 : i32
      %add3A_17 = arith.addi %mul3A_16, %add3A : i32
      %mul3A_18 = arith.constant 128 : i32
      %mul3A_19 = arith.muli %add3A_17, %mul3A_18 : i32
      "tpu.region"() ({
        %run_scoped3A = tpu.sem_alloc : memref<!tpu.dma_semaphore, #tpu.memory_space<semaphore_mem>>
        %dma_start3A_24 = tpu.memref_slice %arg3[%mul3A_19] : memref<327680xi32, #tpu.memory_space<hbm>> -> memref<128xi32, #tpu.memory_space<hbm>>
        %dma_start3A_25 = tpu.memref_slice %arg3[%mul3A_19] : memref<327680xi32, #tpu.memory_space<hbm>> -> memref<128xi32, #tpu.memory_space<hbm>>
        tpu.enqueue_dma source(%dma_start3A_25 : memref<128xi32, #tpu.memory_space<hbm>>) target(%arg7 : memref<128xi32, #tpu.memory_space<vmem>>) target_semaphore(%run_scoped3A : memref<!tpu.dma_semaphore, #tpu.memory_space<semaphore_mem>>)
        %dma_wait3A_26 = tpu.memref_slice %arg3[%mul3A_19] : memref<327680xi32, #tpu.memory_space<hbm>> -> memref<128xi32, #tpu.memory_space<hbm>>
        %dma_wait3A_27 = tpu.memref_slice %arg3[%mul3A_19] : memref<327680xi32, #tpu.memory_space<hbm>> -> memref<128xi32, #tpu.memory_space<hbm>>
        tpu.wait_dma2 semaphore(%run_scoped3A : memref<!tpu.dma_semaphore, #tpu.memory_space<semaphore_mem>>) src(%dma_wait3A_27 : memref<128xi32, #tpu.memory_space<hbm>>) dst(%arg7 : memref<128xi32, #tpu.memory_space<vmem>>)
        tpu.yield
      }) : () -> ()
      "tpu.region"() ({
        %run_scoped3A = tpu.sem_alloc : memref<!tpu.dma_semaphore, #tpu.memory_space<semaphore_mem>>
        %dma_start3A_24 = tpu.memref_slice %arg4[%mul3A_19] : memref<327680xi32, #tpu.memory_space<hbm>> -> memref<128xi32, #tpu.memory_space<hbm>>
        %dma_start3A_25 = tpu.memref_slice %arg4[%mul3A_19] : memref<327680xi32, #tpu.memory_space<hbm>> -> memref<128xi32, #tpu.memory_space<hbm>>
        tpu.enqueue_dma source(%dma_start3A_25 : memref<128xi32, #tpu.memory_space<hbm>>) target(%arg8 : memref<128xi32, #tpu.memory_space<vmem>>) target_semaphore(%run_scoped3A : memref<!tpu.dma_semaphore, #tpu.memory_space<semaphore_mem>>)
        %dma_wait3A_26 = tpu.memref_slice %arg4[%mul3A_19] : memref<327680xi32, #tpu.memory_space<hbm>> -> memref<128xi32, #tpu.memory_space<hbm>>
        %dma_wait3A_27 = tpu.memref_slice %arg4[%mul3A_19] : memref<327680xi32, #tpu.memory_space<hbm>> -> memref<128xi32, #tpu.memory_space<hbm>>
        tpu.wait_dma2 semaphore(%run_scoped3A : memref<!tpu.dma_semaphore, #tpu.memory_space<semaphore_mem>>) src(%dma_wait3A_27 : memref<128xi32, #tpu.memory_space<hbm>>) dst(%arg8 : memref<128xi32, #tpu.memory_space<vmem>>)
        tpu.yield
      }) : () -> ()
      %dma_start3A = arith.constant 0 : i32
      %dma_start3A_20 = arith.constant 0 : i32
      %dma_start3A_21 = tpu.memref_slice %arg2[%dma_start3A, %dma_start3A_20] : memref<10240x128xf32, #tpu.memory_space<hbm>> -> memref<10240x128xf32, #tpu.memory_space<hbm>>
      tpu.enqueue_indirect_dma source(%dma_start3A_21 : memref<10240x128xf32, #tpu.memory_space<hbm>>) target(%arg9 : memref<128x128xf32, #tpu.memory_space<vmem>>) offsets(%arg7 : memref<128xi32, #tpu.memory_space<vmem>>) semaphore(%arg11 : memref<!tpu.dma_semaphore, #tpu.memory_space<semaphore_mem>>)
      %dma_wait3A = arith.constant 0 : i32
      %dma_wait3A_22 = arith.constant 0 : i32
      %dma_wait3A_23 = tpu.memref_slice %arg2[%dma_wait3A, %dma_wait3A_22] : memref<10240x128xf32, #tpu.memory_space<hbm>> -> memref<10240x128xf32, #tpu.memory_space<hbm>>
      tpu.wait_indirect_dma semaphore(%arg11 : memref<!tpu.dma_semaphore, #tpu.memory_space<semaphore_mem>>) src(%dma_wait3A_23 : memref<10240x128xf32, #tpu.memory_space<hbm>>) dst(%arg9 : memref<128x128xf32, #tpu.memory_space<vmem>>)
      "tpu.region"() ({
        %run_scoped3A = tpu.sem_alloc : memref<!tpu.dma_semaphore, #tpu.memory_space<semaphore_mem>>
        %dma_start3A_24 = arith.constant 0 : i32
        %dma_start3A_25 = arith.constant 0 : i32
        %dma_start3A_26 = tpu.memref_slice %arg10[%dma_start3A_24, %dma_start3A_25] : memref<10240x128xf32, #tpu.memory_space<vmem_shared>> -> memref<10240x128xf32, #tpu.memory_space<vmem_shared>>
        tpu.enqueue_indirect_dma source(%arg9 : memref<128x128xf32, #tpu.memory_space<vmem>>) target(%dma_start3A_26 : memref<10240x128xf32, #tpu.memory_space<vmem_shared>>) offsets(%arg8 : memref<128xi32, #tpu.memory_space<vmem>>) semaphore(%run_scoped3A : memref<!tpu.dma_semaphore, #tpu.memory_space<semaphore_mem>>) {add = true}
        %dma_wait3A_27 = arith.constant 0 : i32
        %dma_wait3A_28 = arith.constant 0 : i32
        %dma_wait3A_29 = tpu.memref_slice %arg10[%dma_wait3A_27, %dma_wait3A_28] : memref<10240x128xf32, #tpu.memory_space<vmem_shared>> -> memref<10240x128xf32, #tpu.memory_space<vmem_shared>>
        tpu.wait_indirect_dma semaphore(%run_scoped3A : memref<!tpu.dma_semaphore, #tpu.memory_space<semaphore_mem>>) src(%arg9 : memref<128x128xf32, #tpu.memory_space<vmem>>) dst(%dma_wait3A_29 : memref<10240x128xf32, #tpu.memory_space<vmem_shared>>)
        tpu.yield
      }) : () -> ()
    }
    %scan3A_7 = arith.constant 80 : i32
    %barrier3A_8 = arith.constant 0 : index
    tpu.barrier barrier_id(%barrier3A_8)
    %eq3A_9 = arith.constant 0 : i32
    %eq3A_10 = arith.cmpi eq, %arg1, %eq3A_9 : i32
    %convert_element_type3A_11 = arith.extui %eq3A_10 : i1 to i32
    %cond3A_12 = arith.constant 0 : i32
    %cond3A_13 = arith.cmpi ne, %convert_element_type3A_11, %cond3A_12 : i32
    scf.if %cond3A_13 {
      "tpu.region"() ({
        %run_scoped3A = tpu.sem_alloc : memref<!tpu.dma_semaphore, #tpu.memory_space<semaphore_mem>>
        %dma_start3A = arith.constant 0 : i32
        %dma_start3A_14 = arith.constant 0 : i32
        %dma_start3A_15 = tpu.memref_slice %arg6[%arg0, %dma_start3A, %dma_start3A_14] : memref<2x10240x128xf32, #tpu.memory_space<hbm>> -> memref<1x10240x128xf32, #tpu.memory_space<hbm>>
        %dma_start3A_16 = tpu.memref_squeeze %dma_start3A_15 : memref<1x10240x128xf32, #tpu.memory_space<hbm>> -> memref<10240x128xf32, #tpu.memory_space<hbm>>
        tpu.enqueue_dma source(%arg10 : memref<10240x128xf32, #tpu.memory_space<vmem_shared>>) target(%dma_start3A_16 : memref<10240x128xf32, #tpu.memory_space<hbm>>) target_semaphore(%run_scoped3A : memref<!tpu.dma_semaphore, #tpu.memory_space<semaphore_mem>>)
        %dma_wait3A = arith.constant 0 : i32
        %dma_wait3A_17 = arith.constant 0 : i32
        %dma_wait3A_18 = tpu.memref_slice %arg6[%arg0, %dma_wait3A, %dma_wait3A_17] : memref<2x10240x128xf32, #tpu.memory_space<hbm>> -> memref<1x10240x128xf32, #tpu.memory_space<hbm>>
        %dma_wait3A_19 = tpu.memref_squeeze %dma_wait3A_18 : memref<1x10240x128xf32, #tpu.memory_space<hbm>> -> memref<10240x128xf32, #tpu.memory_space<hbm>>
        tpu.wait_dma2 semaphore(%run_scoped3A : memref<!tpu.dma_semaphore, #tpu.memory_space<semaphore_mem>>) src(%arg10 : memref<10240x128xf32, #tpu.memory_space<vmem_shared>>) dst(%dma_wait3A_19 : memref<10240x128xf32, #tpu.memory_space<hbm>>)
        tpu.yield
      }) : () -> ()
    } else {
    }
    return
  }
}

#map = affine_map<(d0, d1) -> (0, 0)>
#map1 = affine_map<(d0, d1) -> (0)>
module attributes {stable_mosaic.version = 14 : i64} {
  func.func @deg(%arg0: i32, %arg1: i32, %arg2: memref<2560x128xi32, #tpu.memory_space<hbm>>, %arg3: memref<10240xf32, #tpu.memory_space<hbm>>, %arg4: memref<2x10240xf32, #tpu.memory_space<hbm>>, %arg5: memref<80x128xi32, #tpu.memory_space<vmem>>, %arg6: memref<128xf32, #tpu.memory_space<vmem>>, %arg7: memref<10240xf32, #tpu.memory_space<vmem_shared>>) attributes {dimension_semantics = [#tpu.dimension_semantics<core_parallel>, #tpu.dimension_semantics<subcore_parallel>], iteration_bounds = array<i64: 2, 16>, scalar_prefetch = 0 : i64, scratch_operands = 3 : i64, tpu.core_type = #tpu.core_type<sc_vector_subcore>, window_params = [{transform_indices = #map}, {transform_indices = #map1}, {transform_indices = #map}]} {
    %mul3A = arith.constant 2 : i32
    %mul3A_0 = arith.muli %arg1, %mul3A : i32
    %add3A = arith.addi %mul3A_0, %arg0 : i32
    %broadcast_in_dim3A = arith.constant 1.000000e+00 : f32
    %broadcast_in_dim3A_1 = vector.broadcast %broadcast_in_dim3A : f32 to vector<16xf32>
    %swap3A = arith.constant 0 : index
    %swap3A_2 = tpu.vector_load %arg6[%swap3A] {strides = array<i32>} : memref<128xf32, #tpu.memory_space<vmem>>, vector<16xf32>,
    %swap3A_3 = vector.shape_cast %swap3A_2 : vector<16xf32> to vector<16xf32>
    %swap3A_4 = vector.shape_cast %broadcast_in_dim3A_1 : vector<16xf32> to vector<16xf32>
    tpu.vector_store %arg6[%swap3A], %swap3A_4 {strides = array<i32>} : memref<128xf32, #tpu.memory_space<vmem>>, vector<16xf32>,
    %broadcast_in_dim3A_5 = arith.constant 1.000000e+00 : f32
    %broadcast_in_dim3A_6 = vector.broadcast %broadcast_in_dim3A_5 : f32 to vector<16xf32>
    %swap3A_7 = arith.constant 16 : index
    %swap3A_8 = tpu.vector_load %arg6[%swap3A_7] {strides = array<i32>} : memref<128xf32, #tpu.memory_space<vmem>>, vector<16xf32>,
    %swap3A_9 = vector.shape_cast %swap3A_8 : vector<16xf32> to vector<16xf32>
    %swap3A_10 = vector.shape_cast %broadcast_in_dim3A_6 : vector<16xf32> to vector<16xf32>
    tpu.vector_store %arg6[%swap3A_7], %swap3A_10 {strides = array<i32>} : memref<128xf32, #tpu.memory_space<vmem>>, vector<16xf32>,
    %broadcast_in_dim3A_11 = arith.constant 1.000000e+00 : f32
    %broadcast_in_dim3A_12 = vector.broadcast %broadcast_in_dim3A_11 : f32 to vector<16xf32>
    %swap3A_13 = arith.constant 32 : index
    %swap3A_14 = tpu.vector_load %arg6[%swap3A_13] {strides = array<i32>} : memref<128xf32, #tpu.memory_space<vmem>>, vector<16xf32>,
    %swap3A_15 = vector.shape_cast %swap3A_14 : vector<16xf32> to vector<16xf32>
    %swap3A_16 = vector.shape_cast %broadcast_in_dim3A_12 : vector<16xf32> to vector<16xf32>
    tpu.vector_store %arg6[%swap3A_13], %swap3A_16 {strides = array<i32>} : memref<128xf32, #tpu.memory_space<vmem>>, vector<16xf32>,
    %broadcast_in_dim3A_17 = arith.constant 1.000000e+00 : f32
    %broadcast_in_dim3A_18 = vector.broadcast %broadcast_in_dim3A_17 : f32 to vector<16xf32>
    %swap3A_19 = arith.constant 48 : index
    %swap3A_20 = tpu.vector_load %arg6[%swap3A_19] {strides = array<i32>} : memref<128xf32, #tpu.memory_space<vmem>>, vector<16xf32>,
    %swap3A_21 = vector.shape_cast %swap3A_20 : vector<16xf32> to vector<16xf32>
    %swap3A_22 = vector.shape_cast %broadcast_in_dim3A_18 : vector<16xf32> to vector<16xf32>
    tpu.vector_store %arg6[%swap3A_19], %swap3A_22 {strides = array<i32>} : memref<128xf32, #tpu.memory_space<vmem>>, vector<16xf32>,
    %broadcast_in_dim3A_23 = arith.constant 1.000000e+00 : f32
    %broadcast_in_dim3A_24 = vector.broadcast %broadcast_in_dim3A_23 : f32 to vector<16xf32>
    %swap3A_25 = arith.constant 64 : index
    %swap3A_26 = tpu.vector_load %arg6[%swap3A_25] {strides = array<i32>} : memref<128xf32, #tpu.memory_space<vmem>>, vector<16xf32>,
    %swap3A_27 = vector.shape_cast %swap3A_26 : vector<16xf32> to vector<16xf32>
    %swap3A_28 = vector.shape_cast %broadcast_in_dim3A_24 : vector<16xf32> to vector<16xf32>
    tpu.vector_store %arg6[%swap3A_25], %swap3A_28 {strides = array<i32>} : memref<128xf32, #tpu.memory_space<vmem>>, vector<16xf32>,
    %broadcast_in_dim3A_29 = arith.constant 1.000000e+00 : f32
    %broadcast_in_dim3A_30 = vector.broadcast %broadcast_in_dim3A_29 : f32 to vector<16xf32>
    %swap3A_31 = arith.constant 80 : index
    %swap3A_32 = tpu.vector_load %arg6[%swap3A_31] {strides = array<i32>} : memref<128xf32, #tpu.memory_space<vmem>>, vector<16xf32>,
    %swap3A_33 = vector.shape_cast %swap3A_32 : vector<16xf32> to vector<16xf32>
    %swap3A_34 = vector.shape_cast %broadcast_in_dim3A_30 : vector<16xf32> to vector<16xf32>
    tpu.vector_store %arg6[%swap3A_31], %swap3A_34 {strides = array<i32>} : memref<128xf32, #tpu.memory_space<vmem>>, vector<16xf32>,
    %broadcast_in_dim3A_35 = arith.constant 1.000000e+00 : f32
    %broadcast_in_dim3A_36 = vector.broadcast %broadcast_in_dim3A_35 : f32 to vector<16xf32>
    %swap3A_37 = arith.constant 96 : index
    %swap3A_38 = tpu.vector_load %arg6[%swap3A_37] {strides = array<i32>} : memref<128xf32, #tpu.memory_space<vmem>>, vector<16xf32>,
    %swap3A_39 = vector.shape_cast %swap3A_38 : vector<16xf32> to vector<16xf32>
    %swap3A_40 = vector.shape_cast %broadcast_in_dim3A_36 : vector<16xf32> to vector<16xf32>
    tpu.vector_store %arg6[%swap3A_37], %swap3A_40 {strides = array<i32>} : memref<128xf32, #tpu.memory_space<vmem>>, vector<16xf32>,
    %broadcast_in_dim3A_41 = arith.constant 1.000000e+00 : f32
    %broadcast_in_dim3A_42 = vector.broadcast %broadcast_in_dim3A_41 : f32 to vector<16xf32>
    %swap3A_43 = arith.constant 112 : index
    %swap3A_44 = tpu.vector_load %arg6[%swap3A_43] {strides = array<i32>} : memref<128xf32, #tpu.memory_space<vmem>>, vector<16xf32>,
    %swap3A_45 = vector.shape_cast %swap3A_44 : vector<16xf32> to vector<16xf32>
    %swap3A_46 = vector.shape_cast %broadcast_in_dim3A_42 : vector<16xf32> to vector<16xf32>
    tpu.vector_store %arg6[%swap3A_43], %swap3A_46 {strides = array<i32>} : memref<128xf32, #tpu.memory_space<vmem>>, vector<16xf32>,
    %eq3A = arith.constant 0 : i32
    %eq3A_47 = arith.cmpi eq, %arg1, %eq3A : i32
    %convert_element_type3A = arith.extui %eq3A_47 : i1 to i32
    %cond3A = arith.constant 0 : i32
    %cond3A_48 = arith.cmpi ne, %convert_element_type3A, %cond3A : i32
    scf.if %cond3A_48 {
      "tpu.region"() ({
        %run_scoped3A = tpu.sem_alloc : memref<!tpu.dma_semaphore, #tpu.memory_space<semaphore_mem>>
        tpu.enqueue_dma source(%arg3 : memref<10240xf32, #tpu.memory_space<hbm>>) target(%arg7 : memref<10240xf32, #tpu.memory_space<vmem_shared>>) target_semaphore(%run_scoped3A : memref<!tpu.dma_semaphore, #tpu.memory_space<semaphore_mem>>)
        tpu.wait_dma2 semaphore(%run_scoped3A : memref<!tpu.dma_semaphore, #tpu.memory_space<semaphore_mem>>) src(%arg3 : memref<10240xf32, #tpu.memory_space<hbm>>) dst(%arg7 : memref<10240xf32, #tpu.memory_space<vmem_shared>>)
        tpu.yield
      }) : () -> ()
    } else {
    }
    %mul3A_49 = arith.constant 80 : i32
    %mul3A_50 = arith.muli %add3A, %mul3A_49 : i32
    "tpu.region"() ({
      %run_scoped3A = tpu.sem_alloc : memref<!tpu.dma_semaphore, #tpu.memory_space<semaphore_mem>>
      %dma_start3A = arith.constant 0 : i32
      %dma_start3A_62 = tpu.memref_slice %arg2[%mul3A_50, %dma_start3A] : memref<2560x128xi32, #tpu.memory_space<hbm>> -> memref<80x128xi32, #tpu.memory_space<hbm>>
      %dma_start3A_63 = arith.constant 0 : i32
      %dma_start3A_64 = tpu.memref_slice %arg2[%mul3A_50, %dma_start3A_63] : memref<2560x128xi32, #tpu.memory_space<hbm>> -> memref<80x128xi32, #tpu.memory_space<hbm>>
      tpu.enqueue_dma source(%dma_start3A_64 : memref<80x128xi32, #tpu.memory_space<hbm>>) target(%arg5 : memref<80x128xi32, #tpu.memory_space<vmem>>) target_semaphore(%run_scoped3A : memref<!tpu.dma_semaphore, #tpu.memory_space<semaphore_mem>>)
      %dma_wait3A = arith.constant 0 : i32
      %dma_wait3A_65 = tpu.memref_slice %arg2[%mul3A_50, %dma_wait3A] : memref<2560x128xi32, #tpu.memory_space<hbm>> -> memref<80x128xi32, #tpu.memory_space<hbm>>
      %dma_wait3A_66 = arith.constant 0 : i32
      %dma_wait3A_67 = tpu.memref_slice %arg2[%mul3A_50, %dma_wait3A_66] : memref<2560x128xi32, #tpu.memory_space<hbm>> -> memref<80x128xi32, #tpu.memory_space<hbm>>
      tpu.wait_dma2 semaphore(%run_scoped3A : memref<!tpu.dma_semaphore, #tpu.memory_space<semaphore_mem>>) src(%dma_wait3A_67 : memref<80x128xi32, #tpu.memory_space<hbm>>) dst(%arg5 : memref<80x128xi32, #tpu.memory_space<vmem>>)
      tpu.yield
    }) : () -> ()
    %barrier3A = arith.constant 0 : index
    tpu.barrier barrier_id(%barrier3A)
    %scan3A = arith.constant 0 : i32
    %scan3A_51 = arith.constant 0 : i32
    %scan3A_52 = arith.constant 80 : i32
    %scan3A_53 = arith.addi %scan3A_51, %scan3A_52 : i32
    %scan3A_54 = arith.constant 1 : i32
    scf.for %scan3A_62 = %scan3A_51 to %scan3A_53 step %scan3A_54  : i32 {
      "tpu.region"() ({
        %run_scoped3A = tpu.sem_alloc : memref<!tpu.dma_semaphore, #tpu.memory_space<semaphore_mem>>
        %dma_start3A = arith.constant 0 : i32
        %dma_start3A_63 = tpu.memref_slice %arg5[%scan3A_62, %dma_start3A] : memref<80x128xi32, #tpu.memory_space<vmem>> -> memref<1x128xi32, #tpu.memory_space<vmem>>
        %dma_start3A_64 = tpu.memref_squeeze %dma_start3A_63 : memref<1x128xi32, #tpu.memory_space<vmem>> -> memref<128xi32, #tpu.memory_space<vmem>>
        %dma_start3A_65 = arith.constant 0 : i32
        %dma_start3A_66 = tpu.memref_slice %arg7[%dma_start3A_65] : memref<10240xf32, #tpu.memory_space<vmem_shared>> -> memref<10240xf32, #tpu.memory_space<vmem_shared>>
        tpu.enqueue_indirect_dma source(%arg6 : memref<128xf32, #tpu.memory_space<vmem>>) target(%dma_start3A_66 : memref<10240xf32, #tpu.memory_space<vmem_shared>>) offsets(%dma_start3A_64 : memref<128xi32, #tpu.memory_space<vmem>>) semaphore(%run_scoped3A : memref<!tpu.dma_semaphore, #tpu.memory_space<semaphore_mem>>) {add = true}
        %dma_wait3A = arith.constant 0 : i32
        %dma_wait3A_67 = tpu.memref_slice %arg5[%scan3A_62, %dma_wait3A] : memref<80x128xi32, #tpu.memory_space<vmem>> -> memref<1x128xi32, #tpu.memory_space<vmem>>
        %dma_wait3A_68 = tpu.memref_squeeze %dma_wait3A_67 : memref<1x128xi32, #tpu.memory_space<vmem>> -> memref<128xi32, #tpu.memory_space<vmem>>
        %dma_wait3A_69 = arith.constant 0 : i32
        %dma_wait3A_70 = tpu.memref_slice %arg7[%dma_wait3A_69] : memref<10240xf32, #tpu.memory_space<vmem_shared>> -> memref<10240xf32, #tpu.memory_space<vmem_shared>>
        tpu.wait_indirect_dma semaphore(%run_scoped3A : memref<!tpu.dma_semaphore, #tpu.memory_space<semaphore_mem>>) src(%arg6 : memref<128xf32, #tpu.memory_space<vmem>>) dst(%dma_wait3A_70 : memref<10240xf32, #tpu.memory_space<vmem_shared>>)
        tpu.yield
      }) : () -> ()
    }
    %scan3A_55 = arith.constant 80 : i32
    %barrier3A_56 = arith.constant 0 : index
    tpu.barrier barrier_id(%barrier3A_56)
    %eq3A_57 = arith.constant 0 : i32
    %eq3A_58 = arith.cmpi eq, %arg1, %eq3A_57 : i32
    %convert_element_type3A_59 = arith.extui %eq3A_58 : i1 to i32
    %cond3A_60 = arith.constant 0 : i32
    %cond3A_61 = arith.cmpi ne, %convert_element_type3A_59, %cond3A_60 : i32
    scf.if %cond3A_61 {
      "tpu.region"() ({
        %run_scoped3A = tpu.sem_alloc : memref<!tpu.dma_semaphore, #tpu.memory_space<semaphore_mem>>
        %dma_start3A = arith.constant 0 : i32
        %dma_start3A_62 = tpu.memref_slice %arg4[%arg0, %dma_start3A] : memref<2x10240xf32, #tpu.memory_space<hbm>> -> memref<1x10240xf32, #tpu.memory_space<hbm>>
        %dma_start3A_63 = tpu.memref_squeeze %dma_start3A_62 : memref<1x10240xf32, #tpu.memory_space<hbm>> -> memref<10240xf32, #tpu.memory_space<hbm>>
        tpu.enqueue_dma source(%arg7 : memref<10240xf32, #tpu.memory_space<vmem_shared>>) target(%dma_start3A_63 : memref<10240xf32, #tpu.memory_space<hbm>>) target_semaphore(%run_scoped3A : memref<!tpu.dma_semaphore, #tpu.memory_space<semaphore_mem>>)
        %dma_wait3A = arith.constant 0 : i32
        %dma_wait3A_64 = tpu.memref_slice %arg4[%arg0, %dma_wait3A] : memref<2x10240xf32, #tpu.memory_space<hbm>> -> memref<1x10240xf32, #tpu.memory_space<hbm>>
        %dma_wait3A_65 = tpu.memref_squeeze %dma_wait3A_64 : memref<1x10240xf32, #tpu.memory_space<hbm>> -> memref<10240xf32, #tpu.memory_space<hbm>>
        tpu.wait_dma2 semaphore(%run_scoped3A : memref<!tpu.dma_semaphore, #tpu.memory_space<semaphore_mem>>) src(%arg7 : memref<10240xf32, #tpu.memory_space<vmem_shared>>) dst(%dma_wait3A_65 : memref<10240xf32, #tpu.memory_space<hbm>>)
        tpu.yield
      }) : () -> ()
    } else {
    }
    return
  }
}

#map = affine_map<(d0, d1) -> (0, 0)>
#map1 = affine_map<(d0, d1) -> (0)>
#map2 = affine_map<(d0, d1) -> (0, 0, 0)>
module attributes {stable_mosaic.version = 14 : i64} {
  func.func @agg(%arg0: i32, %arg1: i32, %arg2: memref<10240x128xf32, #tpu.memory_space<hbm>>, %arg3: memref<327680xi32, #tpu.memory_space<hbm>>, %arg4: memref<327680xi32, #tpu.memory_space<hbm>>, %arg5: memref<10240x128xf32, #tpu.memory_space<hbm>>, %arg6: memref<2x10240x128xf32, #tpu.memory_space<hbm>>, %arg7: memref<128xi32, #tpu.memory_space<vmem>>, %arg8: memref<128xi32, #tpu.memory_space<vmem>>, %arg9: memref<128x128xf32, #tpu.memory_space<vmem>>, %arg10: memref<10240x128xf32, #tpu.memory_space<vmem_shared>>, %arg11: memref<!tpu.dma_semaphore, #tpu.memory_space<semaphore_mem>>) attributes {dimension_semantics = [#tpu.dimension_semantics<core_parallel>, #tpu.dimension_semantics<subcore_parallel>], iteration_bounds = array<i64: 2, 16>, scalar_prefetch = 0 : i64, scratch_operands = 5 : i64, tpu.core_type = #tpu.core_type<sc_vector_subcore>, window_params = [{transform_indices = #map}, {transform_indices = #map1}, {transform_indices = #map1}, {transform_indices = #map}, {transform_indices = #map2}]} {
    %mul3A = arith.constant 2 : i32
    %mul3A_0 = arith.muli %arg1, %mul3A : i32
    %add3A = arith.addi %mul3A_0, %arg0 : i32
    %eq3A = arith.constant 0 : i32
    %eq3A_1 = arith.cmpi eq, %arg1, %eq3A : i32
    %convert_element_type3A = arith.extui %eq3A_1 : i1 to i32
    %cond3A = arith.constant 0 : i32
    %cond3A_2 = arith.cmpi ne, %convert_element_type3A, %cond3A : i32
    scf.if %cond3A_2 {
      "tpu.region"() ({
        %run_scoped3A = tpu.sem_alloc : memref<!tpu.dma_semaphore, #tpu.memory_space<semaphore_mem>>
        tpu.enqueue_dma source(%arg5 : memref<10240x128xf32, #tpu.memory_space<hbm>>) target(%arg10 : memref<10240x128xf32, #tpu.memory_space<vmem_shared>>) target_semaphore(%run_scoped3A : memref<!tpu.dma_semaphore, #tpu.memory_space<semaphore_mem>>)
        tpu.wait_dma2 semaphore(%run_scoped3A : memref<!tpu.dma_semaphore, #tpu.memory_space<semaphore_mem>>) src(%arg5 : memref<10240x128xf32, #tpu.memory_space<hbm>>) dst(%arg10 : memref<10240x128xf32, #tpu.memory_space<vmem_shared>>)
        tpu.yield
      }) : () -> ()
    } else {
    }
    %barrier3A = arith.constant 0 : index
    tpu.barrier barrier_id(%barrier3A)
    %scan3A = arith.constant 0 : i32
    %scan3A_3 = arith.constant 0 : i32
    %scan3A_4 = arith.constant 80 : i32
    %scan3A_5 = arith.addi %scan3A_3, %scan3A_4 : i32
    %scan3A_6 = arith.constant 1 : i32
    scf.for %scan3A_14 = %scan3A_3 to %scan3A_5 step %scan3A_6  : i32 {
      %mul3A_15 = arith.constant 32 : i32
      %mul3A_16 = arith.muli %scan3A_14, %mul3A_15 : i32
      %add3A_17 = arith.addi %mul3A_16, %add3A : i32
      %mul3A_18 = arith.constant 128 : i32
      %mul3A_19 = arith.muli %add3A_17, %mul3A_18 : i32
      "tpu.region"() ({
        %run_scoped3A = tpu.sem_alloc : memref<!tpu.dma_semaphore, #tpu.memory_space<semaphore_mem>>
        %dma_start3A_24 = tpu.memref_slice %arg3[%mul3A_19] : memref<327680xi32, #tpu.memory_space<hbm>> -> memref<128xi32, #tpu.memory_space<hbm>>
        %dma_start3A_25 = tpu.memref_slice %arg3[%mul3A_19] : memref<327680xi32, #tpu.memory_space<hbm>> -> memref<128xi32, #tpu.memory_space<hbm>>
        tpu.enqueue_dma source(%dma_start3A_25 : memref<128xi32, #tpu.memory_space<hbm>>) target(%arg7 : memref<128xi32, #tpu.memory_space<vmem>>) target_semaphore(%run_scoped3A : memref<!tpu.dma_semaphore, #tpu.memory_space<semaphore_mem>>)
        %dma_wait3A_26 = tpu.memref_slice %arg3[%mul3A_19] : memref<327680xi32, #tpu.memory_space<hbm>> -> memref<128xi32, #tpu.memory_space<hbm>>
        %dma_wait3A_27 = tpu.memref_slice %arg3[%mul3A_19] : memref<327680xi32, #tpu.memory_space<hbm>> -> memref<128xi32, #tpu.memory_space<hbm>>
        tpu.wait_dma2 semaphore(%run_scoped3A : memref<!tpu.dma_semaphore, #tpu.memory_space<semaphore_mem>>) src(%dma_wait3A_27 : memref<128xi32, #tpu.memory_space<hbm>>) dst(%arg7 : memref<128xi32, #tpu.memory_space<vmem>>)
        tpu.yield
      }) : () -> ()
      "tpu.region"() ({
        %run_scoped3A = tpu.sem_alloc : memref<!tpu.dma_semaphore, #tpu.memory_space<semaphore_mem>>
        %dma_start3A_24 = tpu.memref_slice %arg4[%mul3A_19] : memref<327680xi32, #tpu.memory_space<hbm>> -> memref<128xi32, #tpu.memory_space<hbm>>
        %dma_start3A_25 = tpu.memref_slice %arg4[%mul3A_19] : memref<327680xi32, #tpu.memory_space<hbm>> -> memref<128xi32, #tpu.memory_space<hbm>>
        tpu.enqueue_dma source(%dma_start3A_25 : memref<128xi32, #tpu.memory_space<hbm>>) target(%arg8 : memref<128xi32, #tpu.memory_space<vmem>>) target_semaphore(%run_scoped3A : memref<!tpu.dma_semaphore, #tpu.memory_space<semaphore_mem>>)
        %dma_wait3A_26 = tpu.memref_slice %arg4[%mul3A_19] : memref<327680xi32, #tpu.memory_space<hbm>> -> memref<128xi32, #tpu.memory_space<hbm>>
        %dma_wait3A_27 = tpu.memref_slice %arg4[%mul3A_19] : memref<327680xi32, #tpu.memory_space<hbm>> -> memref<128xi32, #tpu.memory_space<hbm>>
        tpu.wait_dma2 semaphore(%run_scoped3A : memref<!tpu.dma_semaphore, #tpu.memory_space<semaphore_mem>>) src(%dma_wait3A_27 : memref<128xi32, #tpu.memory_space<hbm>>) dst(%arg8 : memref<128xi32, #tpu.memory_space<vmem>>)
        tpu.yield
      }) : () -> ()
      %dma_start3A = arith.constant 0 : i32
      %dma_start3A_20 = arith.constant 0 : i32
      %dma_start3A_21 = tpu.memref_slice %arg2[%dma_start3A, %dma_start3A_20] : memref<10240x128xf32, #tpu.memory_space<hbm>> -> memref<10240x128xf32, #tpu.memory_space<hbm>>
      tpu.enqueue_indirect_dma source(%dma_start3A_21 : memref<10240x128xf32, #tpu.memory_space<hbm>>) target(%arg9 : memref<128x128xf32, #tpu.memory_space<vmem>>) offsets(%arg7 : memref<128xi32, #tpu.memory_space<vmem>>) semaphore(%arg11 : memref<!tpu.dma_semaphore, #tpu.memory_space<semaphore_mem>>)
      %dma_wait3A = arith.constant 0 : i32
      %dma_wait3A_22 = arith.constant 0 : i32
      %dma_wait3A_23 = tpu.memref_slice %arg2[%dma_wait3A, %dma_wait3A_22] : memref<10240x128xf32, #tpu.memory_space<hbm>> -> memref<10240x128xf32, #tpu.memory_space<hbm>>
      tpu.wait_indirect_dma semaphore(%arg11 : memref<!tpu.dma_semaphore, #tpu.memory_space<semaphore_mem>>) src(%dma_wait3A_23 : memref<10240x128xf32, #tpu.memory_space<hbm>>) dst(%arg9 : memref<128x128xf32, #tpu.memory_space<vmem>>)
      "tpu.region"() ({
        %run_scoped3A = tpu.sem_alloc : memref<!tpu.dma_semaphore, #tpu.memory_space<semaphore_mem>>
        %dma_start3A_24 = arith.constant 0 : i32
        %dma_start3A_25 = arith.constant 0 : i32
        %dma_start3A_26 = tpu.memref_slice %arg10[%dma_start3A_24, %dma_start3A_25] : memref<10240x128xf32, #tpu.memory_space<vmem_shared>> -> memref<10240x128xf32, #tpu.memory_space<vmem_shared>>
        tpu.enqueue_indirect_dma source(%arg9 : memref<128x128xf32, #tpu.memory_space<vmem>>) target(%dma_start3A_26 : memref<10240x128xf32, #tpu.memory_space<vmem_shared>>) offsets(%arg8 : memref<128xi32, #tpu.memory_space<vmem>>) semaphore(%run_scoped3A : memref<!tpu.dma_semaphore, #tpu.memory_space<semaphore_mem>>) {add = true}
        %dma_wait3A_27 = arith.constant 0 : i32
        %dma_wait3A_28 = arith.constant 0 : i32
        %dma_wait3A_29 = tpu.memref_slice %arg10[%dma_wait3A_27, %dma_wait3A_28] : memref<10240x128xf32, #tpu.memory_space<vmem_shared>> -> memref<10240x128xf32, #tpu.memory_space<vmem_shared>>
        tpu.wait_indirect_dma semaphore(%run_scoped3A : memref<!tpu.dma_semaphore, #tpu.memory_space<semaphore_mem>>) src(%arg9 : memref<128x128xf32, #tpu.memory_space<vmem>>) dst(%dma_wait3A_29 : memref<10240x128xf32, #tpu.memory_space<vmem_shared>>)
        tpu.yield
      }) : () -> ()
    }
    %scan3A_7 = arith.constant 80 : i32
    %barrier3A_8 = arith.constant 0 : index
    tpu.barrier barrier_id(%barrier3A_8)
    %eq3A_9 = arith.constant 0 : i32
    %eq3A_10 = arith.cmpi eq, %arg1, %eq3A_9 : i32
    %convert_element_type3A_11 = arith.extui %eq3A_10 : i1 to i32
    %cond3A_12 = arith.constant 0 : i32
    %cond3A_13 = arith.cmpi ne, %convert_element_type3A_11, %cond3A_12 : i32
    scf.if %cond3A_13 {
      "tpu.region"() ({
        %run_scoped3A = tpu.sem_alloc : memref<!tpu.dma_semaphore, #tpu.memory_space<semaphore_mem>>
        %dma_start3A = arith.constant 0 : i32
        %dma_start3A_14 = arith.constant 0 : i32
        %dma_start3A_15 = tpu.memref_slice %arg6[%arg0, %dma_start3A, %dma_start3A_14] : memref<2x10240x128xf32, #tpu.memory_space<hbm>> -> memref<1x10240x128xf32, #tpu.memory_space<hbm>>
        %dma_start3A_16 = tpu.memref_squeeze %dma_start3A_15 : memref<1x10240x128xf32, #tpu.memory_space<hbm>> -> memref<10240x128xf32, #tpu.memory_space<hbm>>
        tpu.enqueue_dma source(%arg10 : memref<10240x128xf32, #tpu.memory_space<vmem_shared>>) target(%dma_start3A_16 : memref<10240x128xf32, #tpu.memory_space<hbm>>) target_semaphore(%run_scoped3A : memref<!tpu.dma_semaphore, #tpu.memory_space<semaphore_mem>>)
        %dma_wait3A = arith.constant 0 : i32
        %dma_wait3A_17 = arith.constant 0 : i32
        %dma_wait3A_18 = tpu.memref_slice %arg6[%arg0, %dma_wait3A, %dma_wait3A_17] : memref<2x10240x128xf32, #tpu.memory_space<hbm>> -> memref<1x10240x128xf32, #tpu.memory_space<hbm>>
        %dma_wait3A_19 = tpu.memref_squeeze %dma_wait3A_18 : memref<1x10240x128xf32, #tpu.memory_space<hbm>> -> memref<10240x128xf32, #tpu.memory_space<hbm>>
        tpu.wait_dma2 semaphore(%run_scoped3A : memref<!tpu.dma_semaphore, #tpu.memory_space<semaphore_mem>>) src(%arg10 : memref<10240x128xf32, #tpu.memory_space<vmem_shared>>) dst(%dma_wait3A_19 : memref<10240x128xf32, #tpu.memory_space<hbm>>)
        tpu.yield
      }) : () -> ()
    } else {
    }
    return
  }
}

module attributes {stable_mosaic.version = 14 : i64} {
  func.func @_mm_body(%arg0: i32, %arg1: memref<1024x128xf32, #tpu.memory_space<vmem>>, %arg2: memref<128x128xf32, #tpu.memory_space<vmem>>, %arg3: memref<1024x128xf32, #tpu.memory_space<vmem>>) attributes {dimension_semantics = [#tpu.dimension_semantics<arbitrary>], iteration_bounds = array<i64: 10>, scalar_prefetch = 0 : i64, scratch_operands = 0 : i64, tpu.core_type = #tpu.core_type<tc>, window_params = [{transform_indices = @transform_0, window_bounds = array<i64: 1024, 128>}, {pipeline_mode = #tpu.pipeline_mode<synchronous>, transform_indices = @transform_1, window_bounds = array<i64: 128, 128>}, {transform_indices = @transform_2, window_bounds = array<i64: 1024, 128>}]} {
    %get3A = arith.constant 0 : index
    %get3A_0 = arith.constant 0 : index
    %get3A_1 = vector.load %arg1[%get3A, %get3A_0] : memref<1024x128xf32, #tpu.memory_space<vmem>>, vector<1024x128xf32>
    %get3A_2 = arith.constant 0 : index
    %get3A_3 = arith.constant 0 : index
    %get3A_4 = vector.load %arg2[%get3A_2, %get3A_3] : memref<128x128xf32, #tpu.memory_space<vmem>>, vector<128x128xf32>
    %dot_general3A = arith.constant dense<0.000000e+00> : vector<1024x128xf32>
    %dot_general3A_5 = tpu.matmul %get3A_1, %get3A_4, %dot_general3A {dimension_numbers = #tpu.dot_dimension_numbers<[1], [0], [0], [1], [0, 0, 1, 1], [], []>, transpose_lhs_hint = false} : vector<1024x128xf32>, vector<128x128xf32>, vector<1024x128xf32> -> vector<1024x128xf32>
    %swap3A = arith.constant 0 : index
    %swap3A_6 = arith.constant 0 : index
    %swap3A_7 = vector.load %arg3[%swap3A, %swap3A_6] : memref<1024x128xf32, #tpu.memory_space<vmem>>, vector<1024x128xf32>
    tpu.vector_store %arg3[%swap3A, %swap3A_6], %dot_general3A_5 {strides = array<i32>} : memref<1024x128xf32, #tpu.memory_space<vmem>>, vector<1024x128xf32>,
    return
  }
  func.func @transform_0(%arg0: i32) -> (i32, i32) {
    %c0_i32 = arith.constant 0 : i32
    %c0_i32_0 = arith.constant 0 : i32
    return %arg0, %c0_i32 : i32, i32
  }
  func.func @transform_1(%arg0: i32) -> (i32, i32) {
    %c0_i32 = arith.constant 0 : i32
    %c0_i32_0 = arith.constant 0 : i32
    %c0_i32_1 = arith.constant 0 : i32
    return %c0_i32, %c0_i32_0 : i32, i32
  }
  func.func @transform_2(%arg0: i32) -> (i32, i32) {
    %c0_i32 = arith.constant 0 : i32
    %c0_i32_0 = arith.constant 0 : i32
    return %arg0, %c0_i32 : i32, i32
  }
}

module attributes {stable_mosaic.version = 14 : i64} {
  func.func @_mid1_body(%arg0: i32, %arg1: memref<2x1024x128xf32, #tpu.memory_space<vmem>>, %arg2: memref<2x1024x1xf32, #tpu.memory_space<vmem>>, %arg3: memref<1024x128xf32, #tpu.memory_space<vmem>>, %arg4: memref<128x128xf32, #tpu.memory_space<vmem>>, %arg5: memref<1x128xf32, #tpu.memory_space<vmem>>, %arg6: memref<128x128xf32, #tpu.memory_space<vmem>>, %arg7: memref<1024x128xf32, #tpu.memory_space<vmem>>, %arg8: memref<1024x128xf32, #tpu.memory_space<vmem>>, %arg9: memref<1024x1xf32, #tpu.memory_space<vmem>>) attributes {dimension_semantics = [#tpu.dimension_semantics<arbitrary>], iteration_bounds = array<i64: 10>, scalar_prefetch = 0 : i64, scratch_operands = 0 : i64, tpu.core_type = #tpu.core_type<tc>, window_params = [{transform_indices = @transform_0, window_bounds = array<i64: 2, 1024, 128>}, {transform_indices = @transform_1, window_bounds = array<i64: 2, 1024, 1>}, {transform_indices = @transform_2, window_bounds = array<i64: 1024, 128>}, {pipeline_mode = #tpu.pipeline_mode<synchronous>, transform_indices = @transform_3, window_bounds = array<i64: 128, 128>}, {pipeline_mode = #tpu.pipeline_mode<synchronous>, transform_indices = @transform_4, window_bounds = array<i64: 1, 128>}, {pipeline_mode = #tpu.pipeline_mode<synchronous>, transform_indices = @transform_5, window_bounds = array<i64: 128, 128>}, {transform_indices = @transform_6, window_bounds = array<i64: 1024, 128>}, {transform_indices = @transform_7, window_bounds = array<i64: 1024, 128>}, {transform_indices = @transform_8, window_bounds = array<i64: 1024, 1>}]} {
    %get3A = arith.constant 0 : index
    %get3A_0 = arith.constant 0 : index
    %get3A_1 = arith.constant 0 : index
    %get3A_2 = vector.load %arg2[%get3A, %get3A_0, %get3A_1] : memref<2x1024x1xf32, #tpu.memory_space<vmem>>, vector<1x1024x1xf32>
    %get3A_3 = vector.shape_cast %get3A_2 : vector<1x1024x1xf32> to vector<1024x1xf32>
    %get3A_4 = arith.constant 1 : index
    %get3A_5 = arith.constant 0 : index
    %get3A_6 = arith.constant 0 : index
    %get3A_7 = vector.load %arg2[%get3A_4, %get3A_5, %get3A_6] : memref<2x1024x1xf32, #tpu.memory_space<vmem>>, vector<1x1024x1xf32>
    %get3A_8 = vector.shape_cast %get3A_7 : vector<1x1024x1xf32> to vector<1024x1xf32>
    %add3A = arith.addf %get3A_3, %get3A_8 : vector<1024x1xf32>
    %max3A = arith.constant 1.000000e+00 : f32
    %max3A_9 = vector.broadcast %max3A : f32 to vector<1024x1xf32>
    %max3A_10 = arith.maximumf %add3A, %max3A_9 : vector<1024x1xf32>
    %div3A = arith.constant 1.000000e+00 : f32
    %div3A_11 = vector.broadcast %div3A : f32 to vector<1024x1xf32>
    %div3A_12 = arith.divf %div3A_11, %max3A_10 : vector<1024x1xf32>
    %get3A_13 = arith.constant 0 : index
    %get3A_14 = arith.constant 0 : index
    %get3A_15 = arith.constant 0 : index
    %get3A_16 = vector.load %arg1[%get3A_13, %get3A_14, %get3A_15] : memref<2x1024x128xf32, #tpu.memory_space<vmem>>, vector<1x1024x128xf32>
    %get3A_17 = vector.shape_cast %get3A_16 : vector<1x1024x128xf32> to vector<1024x128xf32>
    %get3A_18 = arith.constant 1 : index
    %get3A_19 = arith.constant 0 : index
    %get3A_20 = arith.constant 0 : index
    %get3A_21 = vector.load %arg1[%get3A_18, %get3A_19, %get3A_20] : memref<2x1024x128xf32, #tpu.memory_space<vmem>>, vector<1x1024x128xf32>
    %get3A_22 = vector.shape_cast %get3A_21 : vector<1x1024x128xf32> to vector<1024x128xf32>
    %add3A_23 = arith.addf %get3A_17, %get3A_22 : vector<1024x128xf32>
    %mul3A = vector.broadcast %div3A_12 : vector<1024x1xf32> to vector<1024x128xf32>
    %mul3A_24 = arith.mulf %add3A_23, %mul3A : vector<1024x128xf32>
    %get3A_25 = arith.constant 0 : index
    %get3A_26 = arith.constant 0 : index
    %get3A_27 = vector.load %arg3[%get3A_25, %get3A_26] : memref<1024x128xf32, #tpu.memory_space<vmem>>, vector<1024x128xf32>
    %get3A_28 = arith.constant 0 : index
    %get3A_29 = arith.constant 0 : index
    %get3A_30 = vector.load %arg4[%get3A_28, %get3A_29] : memref<128x128xf32, #tpu.memory_space<vmem>>, vector<128x128xf32>
    %dot_general3A = arith.constant dense<0.000000e+00> : vector<1024x128xf32>
    %dot_general3A_31 = tpu.matmul %get3A_27, %get3A_30, %dot_general3A {dimension_numbers = #tpu.dot_dimension_numbers<[1], [0], [0], [1], [0, 0, 1, 1], [], []>, transpose_lhs_hint = false} : vector<1024x128xf32>, vector<128x128xf32>, vector<1024x128xf32> -> vector<1024x128xf32>
    %add3A_32 = arith.addf %mul3A_24, %dot_general3A_31 : vector<1024x128xf32>
    %get3A_33 = arith.constant 0 : index
    %get3A_34 = arith.constant 0 : index
    %get3A_35 = vector.load %arg5[%get3A_33, %get3A_34] : memref<1x128xf32, #tpu.memory_space<vmem>>, vector<1x128xf32>
    %add3A_36 = vector.broadcast %get3A_35 : vector<1x128xf32> to vector<1024x128xf32>
    %add3A_37 = arith.addf %add3A_32, %add3A_36 : vector<1024x128xf32>
    %max3A_38 = arith.constant 0.000000e+00 : f32
    %max3A_39 = vector.broadcast %max3A_38 : f32 to vector<1024x128xf32>
    %max3A_40 = arith.maximumf %add3A_37, %max3A_39 : vector<1024x128xf32>
    %swap3A = arith.constant 0 : index
    %swap3A_41 = arith.constant 0 : index
    %swap3A_42 = vector.load %arg7[%swap3A, %swap3A_41] : memref<1024x128xf32, #tpu.memory_space<vmem>>, vector<1024x128xf32>
    tpu.vector_store %arg7[%swap3A, %swap3A_41], %max3A_40 {strides = array<i32>} : memref<1024x128xf32, #tpu.memory_space<vmem>>, vector<1024x128xf32>,
    %get3A_43 = arith.constant 0 : index
    %get3A_44 = arith.constant 0 : index
    %get3A_45 = vector.load %arg6[%get3A_43, %get3A_44] : memref<128x128xf32, #tpu.memory_space<vmem>>, vector<128x128xf32>
    %dot_general3A_46 = arith.constant dense<0.000000e+00> : vector<1024x128xf32>
    %dot_general3A_47 = tpu.matmul %max3A_40, %get3A_45, %dot_general3A_46 {dimension_numbers = #tpu.dot_dimension_numbers<[1], [0], [0], [1], [0, 0, 1, 1], [], []>, transpose_lhs_hint = false} : vector<1024x128xf32>, vector<128x128xf32>, vector<1024x128xf32> -> vector<1024x128xf32>
    %swap3A_48 = arith.constant 0 : index
    %swap3A_49 = arith.constant 0 : index
    %swap3A_50 = vector.load %arg8[%swap3A_48, %swap3A_49] : memref<1024x128xf32, #tpu.memory_space<vmem>>, vector<1024x128xf32>
    tpu.vector_store %arg8[%swap3A_48, %swap3A_49], %dot_general3A_47 {strides = array<i32>} : memref<1024x128xf32, #tpu.memory_space<vmem>>, vector<1024x128xf32>,
    %swap3A_51 = arith.constant 0 : index
    %swap3A_52 = arith.constant 0 : index
    %swap3A_53 = vector.load %arg9[%swap3A_51, %swap3A_52] : memref<1024x1xf32, #tpu.memory_space<vmem>>, vector<1024x1xf32>
    tpu.vector_store %arg9[%swap3A_51, %swap3A_52], %div3A_12 {strides = array<i32>} : memref<1024x1xf32, #tpu.memory_space<vmem>>, vector<1024x1xf32>,
    return
  }
  func.func @transform_0(%arg0: i32) -> (i32, i32, i32) {
    %c0_i32 = arith.constant 0 : i32
    %c0_i32_0 = arith.constant 0 : i32
    %c0_i32_1 = arith.constant 0 : i32
    return %c0_i32, %arg0, %c0_i32_0 : i32, i32, i32
  }
  func.func @transform_1(%arg0: i32) -> (i32, i32, i32) {
    %c0_i32 = arith.constant 0 : i32
    %c0_i32_0 = arith.constant 0 : i32
    %c0_i32_1 = arith.constant 0 : i32
    return %c0_i32, %arg0, %c0_i32_0 : i32, i32, i32
  }
  func.func @transform_2(%arg0: i32) -> (i32, i32) {
    %c0_i32 = arith.constant 0 : i32
    %c0_i32_0 = arith.constant 0 : i32
    return %arg0, %c0_i32 : i32, i32
  }
  func.func @transform_3(%arg0: i32) -> (i32, i32) {
    %c0_i32 = arith.constant 0 : i32
    %c0_i32_0 = arith.constant 0 : i32
    %c0_i32_1 = arith.constant 0 : i32
    return %c0_i32, %c0_i32_0 : i32, i32
  }
  func.func @transform_4(%arg0: i32) -> (i32, i32) {
    %c0_i32 = arith.constant 0 : i32
    %c0_i32_0 = arith.constant 0 : i32
    %c0_i32_1 = arith.constant 0 : i32
    return %c0_i32, %c0_i32_0 : i32, i32
  }
  func.func @transform_5(%arg0: i32) -> (i32, i32) {
    %c0_i32 = arith.constant 0 : i32
    %c0_i32_0 = arith.constant 0 : i32
    %c0_i32_1 = arith.constant 0 : i32
    return %c0_i32, %c0_i32_0 : i32, i32
  }
  func.func @transform_6(%arg0: i32) -> (i32, i32) {
    %c0_i32 = arith.constant 0 : i32
    %c0_i32_0 = arith.constant 0 : i32
    return %arg0, %c0_i32 : i32, i32
  }
  func.func @transform_7(%arg0: i32) -> (i32, i32) {
    %c0_i32 = arith.constant 0 : i32
    %c0_i32_0 = arith.constant 0 : i32
    return %arg0, %c0_i32 : i32, i32
  }
  func.func @transform_8(%arg0: i32) -> (i32, i32) {
    %c0_i32 = arith.constant 0 : i32
    %c0_i32_0 = arith.constant 0 : i32
    return %arg0, %c0_i32 : i32, i32
  }
}

module attributes {stable_mosaic.version = 14 : i64} {
  func.func @_mid2_body(%arg0: i32, %arg1: memref<2x1024x128xf32, #tpu.memory_space<vmem>>, %arg2: memref<1024x1xf32, #tpu.memory_space<vmem>>, %arg3: memref<1024x128xf32, #tpu.memory_space<vmem>>, %arg4: memref<128x128xf32, #tpu.memory_space<vmem>>, %arg5: memref<1x128xf32, #tpu.memory_space<vmem>>, %arg6: memref<1024x128xf32, #tpu.memory_space<vmem>>) attributes {dimension_semantics = [#tpu.dimension_semantics<arbitrary>], iteration_bounds = array<i64: 10>, scalar_prefetch = 0 : i64, scratch_operands = 0 : i64, tpu.core_type = #tpu.core_type<tc>, window_params = [{transform_indices = @transform_0, window_bounds = array<i64: 2, 1024, 128>}, {transform_indices = @transform_1, window_bounds = array<i64: 1024, 1>}, {transform_indices = @transform_2, window_bounds = array<i64: 1024, 128>}, {pipeline_mode = #tpu.pipeline_mode<synchronous>, transform_indices = @transform_3, window_bounds = array<i64: 128, 128>}, {pipeline_mode = #tpu.pipeline_mode<synchronous>, transform_indices = @transform_4, window_bounds = array<i64: 1, 128>}, {transform_indices = @transform_5, window_bounds = array<i64: 1024, 128>}]} {
    %get3A = arith.constant 0 : index
    %get3A_0 = arith.constant 0 : index
    %get3A_1 = arith.constant 0 : index
    %get3A_2 = vector.load %arg1[%get3A, %get3A_0, %get3A_1] : memref<2x1024x128xf32, #tpu.memory_space<vmem>>, vector<1x1024x128xf32>
    %get3A_3 = vector.shape_cast %get3A_2 : vector<1x1024x128xf32> to vector<1024x128xf32>
    %get3A_4 = arith.constant 1 : index
    %get3A_5 = arith.constant 0 : index
    %get3A_6 = arith.constant 0 : index
    %get3A_7 = vector.load %arg1[%get3A_4, %get3A_5, %get3A_6] : memref<2x1024x128xf32, #tpu.memory_space<vmem>>, vector<1x1024x128xf32>
    %get3A_8 = vector.shape_cast %get3A_7 : vector<1x1024x128xf32> to vector<1024x128xf32>
    %add3A = arith.addf %get3A_3, %get3A_8 : vector<1024x128xf32>
    %get3A_9 = arith.constant 0 : index
    %get3A_10 = arith.constant 0 : index
    %get3A_11 = vector.load %arg2[%get3A_9, %get3A_10] : memref<1024x1xf32, #tpu.memory_space<vmem>>, vector<1024x1xf32>
    %mul3A = vector.broadcast %get3A_11 : vector<1024x1xf32> to vector<1024x128xf32>
    %mul3A_12 = arith.mulf %add3A, %mul3A : vector<1024x128xf32>
    %get3A_13 = arith.constant 0 : index
    %get3A_14 = arith.constant 0 : index
    %get3A_15 = vector.load %arg3[%get3A_13, %get3A_14] : memref<1024x128xf32, #tpu.memory_space<vmem>>, vector<1024x128xf32>
    %get3A_16 = arith.constant 0 : index
    %get3A_17 = arith.constant 0 : index
    %get3A_18 = vector.load %arg4[%get3A_16, %get3A_17] : memref<128x128xf32, #tpu.memory_space<vmem>>, vector<128x128xf32>
    %dot_general3A = arith.constant dense<0.000000e+00> : vector<1024x128xf32>
    %dot_general3A_19 = tpu.matmul %get3A_15, %get3A_18, %dot_general3A {dimension_numbers = #tpu.dot_dimension_numbers<[1], [0], [0], [1], [0, 0, 1, 1], [], []>, transpose_lhs_hint = false} : vector<1024x128xf32>, vector<128x128xf32>, vector<1024x128xf32> -> vector<1024x128xf32>
    %add3A_20 = arith.addf %mul3A_12, %dot_general3A_19 : vector<1024x128xf32>
    %get3A_21 = arith.constant 0 : index
    %get3A_22 = arith.constant 0 : index
    %get3A_23 = vector.load %arg5[%get3A_21, %get3A_22] : memref<1x128xf32, #tpu.memory_space<vmem>>, vector<1x128xf32>
    %add3A_24 = vector.broadcast %get3A_23 : vector<1x128xf32> to vector<1024x128xf32>
    %add3A_25 = arith.addf %add3A_20, %add3A_24 : vector<1024x128xf32>
    %max3A = arith.constant 0.000000e+00 : f32
    %max3A_26 = vector.broadcast %max3A : f32 to vector<1024x128xf32>
    %max3A_27 = arith.maximumf %add3A_25, %max3A_26 : vector<1024x128xf32>
    %swap3A = arith.constant 0 : index
    %swap3A_28 = arith.constant 0 : index
    %swap3A_29 = vector.load %arg6[%swap3A, %swap3A_28] : memref<1024x128xf32, #tpu.memory_space<vmem>>, vector<1024x128xf32>
    tpu.vector_store %arg6[%swap3A, %swap3A_28], %max3A_27 {strides = array<i32>} : memref<1024x128xf32, #tpu.memory_space<vmem>>, vector<1024x128xf32>,
    return
  }
  func.func @transform_0(%arg0: i32) -> (i32, i32, i32) {
    %c0_i32 = arith.constant 0 : i32
    %c0_i32_0 = arith.constant 0 : i32
    %c0_i32_1 = arith.constant 0 : i32
    return %c0_i32, %arg0, %c0_i32_0 : i32, i32, i32
  }
  func.func @transform_1(%arg0: i32) -> (i32, i32) {
    %c0_i32 = arith.constant 0 : i32
    %c0_i32_0 = arith.constant 0 : i32
    return %arg0, %c0_i32 : i32, i32
  }
  func.func @transform_2(%arg0: i32) -> (i32, i32) {
    %c0_i32 = arith.constant 0 : i32
    %c0_i32_0 = arith.constant 0 : i32
    return %arg0, %c0_i32 : i32, i32
  }
  func.func @transform_3(%arg0: i32) -> (i32, i32) {
    %c0_i32 = arith.constant 0 : i32
    %c0_i32_0 = arith.constant 0 : i32
    %c0_i32_1 = arith.constant 0 : i32
    return %c0_i32, %c0_i32_0 : i32, i32
  }
  func.func @transform_4(%arg0: i32) -> (i32, i32) {
    %c0_i32 = arith.constant 0 : i32
    %c0_i32_0 = arith.constant 0 : i32
    %c0_i32_1 = arith.constant 0 : i32
    return %c0_i32, %c0_i32_0 : i32, i32
  }
  func.func @transform_5(%arg0: i32) -> (i32, i32) {
    %c0_i32 = arith.constant 0 : i32
    %c0_i32_0 = arith.constant 0 : i32
    return %arg0, %c0_i32 : i32, i32
  }
}

module attributes {stable_mosaic.version = 14 : i64} {
  func.func @_fin_body(%arg0: i32, %arg1: memref<2x1024x128xf32, #tpu.memory_space<vmem>>, %arg2: memref<1024x1xf32, #tpu.memory_space<vmem>>, %arg3: memref<1024x128xf32, #tpu.memory_space<vmem>>, %arg4: memref<128x64xf32, #tpu.memory_space<vmem>>, %arg5: memref<128x64xf32, #tpu.memory_space<vmem>>, %arg6: memref<1x64xf32, #tpu.memory_space<vmem>>, %arg7: memref<1024x64xf32, #tpu.memory_space<vmem>>) attributes {dimension_semantics = [#tpu.dimension_semantics<arbitrary>], iteration_bounds = array<i64: 10>, scalar_prefetch = 0 : i64, scratch_operands = 0 : i64, tpu.core_type = #tpu.core_type<tc>, window_params = [{transform_indices = @transform_0, window_bounds = array<i64: 2, 1024, 128>}, {transform_indices = @transform_1, window_bounds = array<i64: 1024, 1>}, {transform_indices = @transform_2, window_bounds = array<i64: 1024, 128>}, {pipeline_mode = #tpu.pipeline_mode<synchronous>, transform_indices = @transform_3, window_bounds = array<i64: 128, 64>}, {pipeline_mode = #tpu.pipeline_mode<synchronous>, transform_indices = @transform_4, window_bounds = array<i64: 128, 64>}, {pipeline_mode = #tpu.pipeline_mode<synchronous>, transform_indices = @transform_5, window_bounds = array<i64: 1, 64>}, {transform_indices = @transform_6, window_bounds = array<i64: 1024, 64>}]} {
    %get3A = arith.constant 0 : index
    %get3A_0 = arith.constant 0 : index
    %get3A_1 = arith.constant 0 : index
    %get3A_2 = vector.load %arg1[%get3A, %get3A_0, %get3A_1] : memref<2x1024x128xf32, #tpu.memory_space<vmem>>, vector<1x1024x128xf32>
    %get3A_3 = vector.shape_cast %get3A_2 : vector<1x1024x128xf32> to vector<1024x128xf32>
    %get3A_4 = arith.constant 1 : index
    %get3A_5 = arith.constant 0 : index
    %get3A_6 = arith.constant 0 : index
    %get3A_7 = vector.load %arg1[%get3A_4, %get3A_5, %get3A_6] : memref<2x1024x128xf32, #tpu.memory_space<vmem>>, vector<1x1024x128xf32>
    %get3A_8 = vector.shape_cast %get3A_7 : vector<1x1024x128xf32> to vector<1024x128xf32>
    %add3A = arith.addf %get3A_3, %get3A_8 : vector<1024x128xf32>
    %get3A_9 = arith.constant 0 : index
    %get3A_10 = arith.constant 0 : index
    %get3A_11 = vector.load %arg2[%get3A_9, %get3A_10] : memref<1024x1xf32, #tpu.memory_space<vmem>>, vector<1024x1xf32>
    %mul3A = vector.broadcast %get3A_11 : vector<1024x1xf32> to vector<1024x128xf32>
    %mul3A_12 = arith.mulf %add3A, %mul3A : vector<1024x128xf32>
    %get3A_13 = arith.constant 0 : index
    %get3A_14 = arith.constant 0 : index
    %get3A_15 = vector.load %arg4[%get3A_13, %get3A_14] : memref<128x64xf32, #tpu.memory_space<vmem>>, vector<128x64xf32>
    %dot_general3A = arith.constant dense<0.000000e+00> : vector<1024x64xf32>
    %dot_general3A_16 = tpu.matmul %mul3A_12, %get3A_15, %dot_general3A {dimension_numbers = #tpu.dot_dimension_numbers<[1], [0], [0], [1], [0, 0, 1, 1], [], []>, transpose_lhs_hint = false} : vector<1024x128xf32>, vector<128x64xf32>, vector<1024x64xf32> -> vector<1024x64xf32>
    %get3A_17 = arith.constant 0 : index
    %get3A_18 = arith.constant 0 : index
    %get3A_19 = vector.load %arg3[%get3A_17, %get3A_18] : memref<1024x128xf32, #tpu.memory_space<vmem>>, vector<1024x128xf32>
    %get3A_20 = arith.constant 0 : index
    %get3A_21 = arith.constant 0 : index
    %get3A_22 = vector.load %arg5[%get3A_20, %get3A_21] : memref<128x64xf32, #tpu.memory_space<vmem>>, vector<128x64xf32>
    %dot_general3A_23 = arith.constant dense<0.000000e+00> : vector<1024x64xf32>
    %dot_general3A_24 = tpu.matmul %get3A_19, %get3A_22, %dot_general3A_23 {dimension_numbers = #tpu.dot_dimension_numbers<[1], [0], [0], [1], [0, 0, 1, 1], [], []>, transpose_lhs_hint = false} : vector<1024x128xf32>, vector<128x64xf32>, vector<1024x64xf32> -> vector<1024x64xf32>
    %add3A_25 = arith.addf %dot_general3A_16, %dot_general3A_24 : vector<1024x64xf32>
    %get3A_26 = arith.constant 0 : index
    %get3A_27 = arith.constant 0 : index
    %get3A_28 = vector.load %arg6[%get3A_26, %get3A_27] : memref<1x64xf32, #tpu.memory_space<vmem>>, vector<1x64xf32>
    %add3A_29 = vector.broadcast %get3A_28 : vector<1x64xf32> to vector<1024x64xf32>
    %add3A_30 = arith.addf %add3A_25, %add3A_29 : vector<1024x64xf32>
    %max3A = arith.constant 0.000000e+00 : f32
    %max3A_31 = vector.broadcast %max3A : f32 to vector<1024x64xf32>
    %max3A_32 = arith.maximumf %add3A_30, %max3A_31 : vector<1024x64xf32>
    %swap3A = arith.constant 0 : index
    %swap3A_33 = arith.constant 0 : index
    %swap3A_34 = vector.load %arg7[%swap3A, %swap3A_33] : memref<1024x64xf32, #tpu.memory_space<vmem>>, vector<1024x64xf32>
    tpu.vector_store %arg7[%swap3A, %swap3A_33], %max3A_32 {strides = array<i32>} : memref<1024x64xf32, #tpu.memory_space<vmem>>, vector<1024x64xf32>,
    return
  }
  func.func @transform_0(%arg0: i32) -> (i32, i32, i32) {
    %c0_i32 = arith.constant 0 : i32
    %c0_i32_0 = arith.constant 0 : i32
    %c0_i32_1 = arith.constant 0 : i32
    return %c0_i32, %arg0, %c0_i32_0 : i32, i32, i32
  }
  func.func @transform_1(%arg0: i32) -> (i32, i32) {
    %c0_i32 = arith.constant 0 : i32
    %c0_i32_0 = arith.constant 0 : i32
    return %arg0, %c0_i32 : i32, i32
  }
  func.func @transform_2(%arg0: i32) -> (i32, i32) {
    %c0_i32 = arith.constant 0 : i32
    %c0_i32_0 = arith.constant 0 : i32
    return %arg0, %c0_i32 : i32, i32
  }
  func.func @transform_3(%arg0: i32) -> (i32, i32) {
    %c0_i32 = arith.constant 0 : i32
    %c0_i32_0 = arith.constant 0 : i32
    %c0_i32_1 = arith.constant 0 : i32
    return %c0_i32, %c0_i32_0 : i32, i32
  }
  func.func @transform_4(%arg0: i32) -> (i32, i32) {
    %c0_i32 = arith.constant 0 : i32
    %c0_i32_0 = arith.constant 0 : i32
    %c0_i32_1 = arith.constant 0 : i32
    return %c0_i32, %c0_i32_0 : i32, i32
  }
  func.func @transform_5(%arg0: i32) -> (i32, i32) {
    %c0_i32 = arith.constant 0 : i32
    %c0_i32_0 = arith.constant 0 : i32
    %c0_i32_1 = arith.constant 0 : i32
    return %c0_i32, %c0_i32_0 : i32, i32
  }
  func.func @transform_6(%arg0: i32) -> (i32, i32) {
    %c0_i32 = arith.constant 0 : i32
    %c0_i32_0 = arith.constant 0 : i32
    return %arg0, %c0_i32 : i32, i32
  }
}

</mosaic_0001>

<sc_bundles>
// kernel: kernel.10.cloned.1.call-start
scs
__scs_entry_jumppad:
0x0: {  	(pc) =	sbr.rel $0x88, $3  }
0x1: {  	(tag) =	ssettag $0x0;
	lr =	simm.s32 $0x1  }
0x2: {  	[smem:$0x3F96] =	sst lr;
	_ =	strace $0xD0000000  }
0x3: {  	_ = 	snop  }
0x4: {  	_ = 	snop  }
0x5: {  	_ = 	snop  }
0x6: {  	_ = 	snop  }
0x7: {  	_ = 	snop  }
__scs_overlays_trampoline_lowered:
0x8: {  	[smem:$0x3FA5] =	sst s0  }
0x9: {  	[smem:$0x3FA6] =	sst s1  }
0xa: {  	[smem:$0x3FA7] =	sst s2  }
0xb: {  	[smem:$0x3FA8] =	sst s3  }
0xc: {  	[smem:$0x3FA9] =	sst s4  }
0xd: {  	[smem:$0x3FAA] =	sst s5  }
0xe: {  	[smem:$0x3FAB] =	sst s6  }
0xf: {  	[smem:$0x3FAC] =	sst s7  }
0x10: {  	[smem:$0x3FAD] =	sst s8  }
0x11: {  	[smem:$0x3FAE] =	sst s9;
	s0 =	simm.s32 @!p0 $0x0  }
0x12: {  	s1 =	sld [smem:$0x3F94];
	s0 =	simm.s32 @p0 $0x1  }
0x13: {  	[smem:$0x3FAF] =	sst s0;
	s0 =	simm.s32 @!p1 $0x0  }
0x14: {  	s2 =	sld [smem:$0x3F93];
	s0 =	simm.s32 @p1 $0x1  }
0x15: {  	[smem:$0x3FB0] =	sst s0;
	s0 =	simm.s32 @!p2 $0x0  }
0x16: {  	s3 =	sld [smem:$0x3FDB];
	s0 =	simm.s32 @p2 $0x1  }
0x17: {  	s4 =	simm.s32 $0x1BF5;
	[smem:$0x3FB2] =	sst s0  }
0x18: {  	s0 =	sld [smem:$0x3F95];
	_ =	swait.ge [sflag:s4], $0x0  }
0x19: {  	s7 =	sld [smem:$0x3F96]  }
0x1a: {  	s8 =	sadd.s32 $0xFFFFE003, lr  }
0x1b: {  	s9 =	sadd.s32 $0xFFFFFEF7, lr;
	s5 =	simm.s32 $0xFFFFFFFF;
	p2 =	slt.u32 s8, $0xFFFFF086  }
0x1c: {  	p1 =	slt.u32 s9, $0xF7A;
	s5 =	simm.s32 @!p2 $0x0  }
0x1d: {  	s5 =	simm.s32 @p1 $0x1;
	p0 =	seq.s32 s7, s2  }
0x1e: {  	s7 =	smul.u32 @!p0 $0xF7A, s2;
	p2 =	seq.s32 @!p0 s5, $0x0  }
0x1f: {  	s9 =	smul.u32 $0xF7A, s1;
	s8 =	simm.s32 @!p0 $0x1BF5;
	p2 =	por !p2, p0  }
0x20: {  	[sflag:s8] =	ssyncset.s32 @!p0 $0xFFFFF086;
	s6 =	sadd.s32 @!p0 s3, s7;
	s7 =	simm.s32 @!p0 $0x108  }
0x21: {  	s3 =	sadd.s32 s3, s9;
	s6 =	sadd.s32 @!p0 $0x88, s6;
	s7 =	simm.s32 @p2 $0x1082  }
0x22: {  	[simem:s7], [sflag:s8] =	dma.local @!p0 [hbm:s6], $0xF7A  }
0x23: {  	s9 =	sor.u32 $0xD0000000, s2;
	s6 =	simm.s32 $0x108;
	_ =	swait.ge @!p0 [sflag:s8], $0x0  }
0x24: {  	s3 =	sadd.s32 $0x88, s3;
	s6 =	simm.s32 @!p1 $0x1082;
	[sflag:s4] =	ssyncset.s32 $0xFFFFF086  }
0x25: {  	[simem:s6], [sflag:s4] =	dma.local [hbm:s3], $0xF7A  }
0x26: {  	[smem:$0x3F96] =	sst s1;
	(tag) =	ssettag s2;
	_ =	strace s9  }
0x27: {  	s1 =	sld [smem:$0x3FA6]  }
0x28: {  	s2 =	sld [smem:$0x3FA7]  }
0x29: {  	s4 =	sld [smem:$0x3FA9]  }
0x2a: {  	p0 =	seq.s32 s5, $0x0;
	s5 =	sld [smem:$0x3FAA]  }
0x2b: {  	s6 =	sld [smem:$0x3FAB]  }
0x2c: {  	s7 =	sld [smem:$0x3FAC]  }
0x2d: {  	s3 =	simm.s32 $0x108;
	s8 =	sld [smem:$0x3FAD]  }
0x2e: {  	s3 =	simm.s32 @!p0 $0x1082;
	s9 =	sld [smem:$0x3FAE]  }
0x2f: {  	lr =	sadd.s32 s0, s3;
	s0 =	sld [smem:$0x3FA5]  }
0x30: {  	s3 =	sld [smem:$0x3FA8]  }
0x31: {  	[smem:$0x3FB1] =	sst s10  }
0x32: {  	s10 =	sld [smem:$0x3FAF];
	_ =	sdelay $0x3  }
0x33: {  	p0 =	seq.s32 s10, $0x1;
	s10 =	sld [smem:$0x3FB1];
	_ =	sdelay $0x3  }
0x34: {  	[smem:$0x3FB1] =	sst s10  }
0x35: {  	s10 =	sld [smem:$0x3FB0];
	_ =	sdelay $0x3  }
0x36: {  	p1 =	seq.s32 s10, $0x1;
	s10 =	sld [smem:$0x3FB1];
	_ =	sdelay $0x3  }
0x37: {  	[smem:$0x3FB1] =	sst s10  }
0x38: {  	s10 =	sld [smem:$0x3FB2]  }
0x39: {  	_ = 	snop;
	(pc) =	sbr.ind lr, $3  }
0x3a: {  	_ = 	snop  }
0x3b: {  	_ = 	snop  }
0x3c: {  	p2 =	seq.s32 s10, $0x1;
	s10 =	sld [smem:$0x3FB1]  }
0x3d: {  	_ =	shalt  }
0x3e: {  	_ =	shalt  }
0x3f: {  	_ =	shalt  }
0x40: {  	_ =	shalt  }
0x41: {  	_ =	shalt  }
0x42: {  	_ =	shalt  }
0x43: {  	_ =	shalt  }
0x44: {  	_ =	shalt  }
0x45: {  	_ =	shalt  }
0x46: {  	_ =	shalt  }
0x47: {  	_ =	shalt  }
0x48: {  	_ =	shalt  }
0x49: {  	_ =	shalt  }
0x4a: {  	_ =	shalt  }
0x4b: {  	_ =	shalt  }
0x4c: {  	_ =	shalt  }
0x4d: {  	_ =	shalt  }
0x4e: {  	_ =	shalt  }
0x4f: {  	_ =	shalt  }
0x50: {  	_ =	shalt  }
0x51: {  	_ =	shalt  }
0x52: {  	_ =	shalt  }
0x53: {  	_ =	shalt  }
0x54: {  	_ =	shalt  }
0x55: {  	_ =	shalt  }
0x56: {  	_ =	shalt  }
0x57: {  	_ =	shalt  }
0x58: {  	_ =	shalt  }
0x59: {  	_ =	shalt  }
0x5a: {  	_ =	shalt  }
0x5b: {  	_ =	shalt  }
0x5c: {  	_ =	shalt  }
0x5d: {  	_ =	shalt  }
0x5e: {  	_ =	shalt  }
0x5f: {  	_ =	shalt  }
0x60: {  	_ =	shalt  }
0x61: {  	_ =	shalt  }
0x62: {  	_ =	shalt  }
0x63: {  	_ =	shalt  }
0x64: {  	_ =	shalt  }
0x65: {  	_ =	shalt  }
0x66: {  	_ =	shalt  }
0x67: {  	_ =	shalt  }
0x68: {  	_ =	shalt  }
0x69: {  	_ =	shalt  }
0x6a: {  	_ =	shalt  }
0x6b: {  	_ =	shalt  }
0x6c: {  	_ =	shalt  }
0x6d: {  	_ =	shalt  }
0x6e: {  	_ =	shalt  }
0x6f: {  	_ =	shalt  }
0x70: {  	_ =	shalt  }
0x71: {  	_ =	shalt  }
0x72: {  	_ =	shalt  }
0x73: {  	_ =	shalt  }
0x74: {  	_ =	shalt  }
0x75: {  	_ =	shalt  }
0x76: {  	_ =	shalt  }
0x77: {  	_ =	shalt  }
0x78: {  	_ =	shalt  }
0x79: {  	_ =	shalt  }
0x7a: {  	_ =	shalt  }
0x7b: {  	_ =	shalt  }
0x7c: {  	_ =	shalt  }
0x7d: {  	_ =	shalt  }
0x7e: {  	_ =	shalt  }
0x7f: {  	_ =	shalt  }
0x80: {  	_ =	shalt  }
0x81: {  	_ =	shalt  }
0x82: {  	_ =	shalt  }
0x83: {  	_ =	shalt  }
0x84: {  	_ =	shalt  }
0x85: {  	_ =	shalt  }
0x86: {  	_ =	shalt  }
0x87: {  	_ =	shalt  }
.Lfunc_end0:
.L_simem_size_0:
called_computation_lowered:
.L_overlay_start_0:
0x88: {  	s2 =	sld [smem:$0x3FD9]  }
0x89: {  	s3 =	sld [smem:$0x3FFE];
	_ =	sdelay $0x1  }
0x8a: {  	s1 =	srdreg.scid  }
0x8b: {  	s0 =	sand.u32 $0x1, s1  }
0x8c: {  	s16 =	sshll.u32 s0, $0xA;
	s2 =	sadd.s32 s3, s2  }
0x8d: {  	s2 =	sadd.s32 s2, s16  }
0x8e: {  	[smem:$0x3FBD] =	sst s2  }
0x8f: {  	_ = 	snop  }
0x90: {  	(tm) =	ssettm $0x1  }
0x91: {  	s17 =	sld [smem:$0x3FFB];
	_ =	sdelay $0x3  }
0x92: {  	_ =	strace s17  }
0x93: {  	s2 =	sld [smem:$0x3FFC];
	_ =	sdelay $0x3  }
0x94: {  	_ =	strace s2  }
0x95: {  	s2 =	sld [smem:$0x3FFD];
	_ =	sdelay $0x3  }
0x96: {  	_ =	strace s2  }
0x97: {  	_ =	strace $0x8FFFFFFF  }
0x98: {  	s18 =	sld [smem:$0x3FDB];
	_ =	sdelay $0x1  }
0x99: {  	s19 =	simm.s32 $_scs_section_size  }
0x9a: {  	s4 =	simm.s32 $_size__tile_overlayer_lowered;
	s5 =	simm.s32 $_tile_overlayer_lowered  }
0x9b: {  	s22 =	simm.s32 $0x1BFF;
	s21 =	sshll.u32 s5, $0x1;
	s2 =	sadd.s32 s19, s18  }
0x9c: {  	s6 =	simm.s32 $0x0;
	s20 =	sshll.u32 s4, $0x1;
	s4 =	sadd.s32 s21, s2  }
0x9d: {  	[timem:s6], [sflag:s22] =	dma.local [hbm:s4], s20  }
0x9e: {  	_ =	swait.ge [sflag:s22], s20  }
0x9f: {  	s3 =	ssub.s32 $0x0, s20;
	[sflag:s22] =	ssyncset.done $0x0  }
0xa0: {  	[sflag:s22] =	ssyncadd.s32 s3;
	_ =	sdelay $0x1  }
0xa1: {  	s23 =	simm.s32 $0x1B8B  }
0xa2: {  	_ =	swait.ge [sflag:s23], $0x1  }
0xa3: {  	[sflag:s23] =	ssyncset.done $0x0  }
0xa4: {  	s25 =	simm.s32 $0x1B8E;
	s24 =	sld [smem:$0x3FFE];
	[sflag:s23] =	ssyncadd.s32 $0xFFFFFFFF  }
0xa5: {  	s26 =	simm.s32 $execute0_lowered;
	[smem:$0x3FD2] =	sst s25  }
0xa6: {  	s4 =	sshll.u32 s26, $0x1;
	_ =	strace $0x80000046;
	[dreg:$0x1] =	wrdreg $0xFFFFFFFF  }
0xa7: {  	s28 =	simm.s32 $_size_execute0_lowered;
	s2 =	sadd.s32 s2, s4;
	[dreg:$0x0] =	wrdreg $0x0  }
0xa8: {  	s4 =	sshll.u32 s28, $0x1;
	[dreg:$0x2] =	wrdreg s2  }
0xa9: {  	[dreg:$0x3] =	wrdreg s4  }
0xaa: {  	[dreg:$0x4] =	wrdreg $0xC0  }
0xab: {  	_ =	task [dreg:s6], $0x5FFFF  }
0xac: {  	[dreg:$0x1] =	wrdreg $0xFFFFFFFF  }
0xad: {  	[dreg:$0x0] =	wrdreg $0x60  }
0xae: {  	[dreg:$0x2] =	wrdreg s24  }
0xaf: {  	[dreg:$0x3] =	wrdreg $0x28800  }
0xb0: {  	[dreg:$0x4] =	wrdreg $0x9  }
0xb1: {  	_ =	task.clear_ibuf [dreg:s6], $0x5FFFF;
	_ =	strace $0x90000046  }
0xb2: {  	s29 =	simm.s32 $0x9;
	_ =	strace $0x80000048  }
0xb3: {  	_ =	swait.ge [sflag:s29], $0x1  }
0xb4: {  	[sflag:s29] =	ssyncadd.s32 $0xFFFFFFFF  }
0xb5: {  	_ =	strace $0x90000048  }
0xb6: {  	_ =	sfence  }
0xb7: {  	s30 =	sld [smem:$0x0];
	_ =	sdelay $0x2  }
0xb8: {  	s31 =	sshll.u32 s1, $0xD;
	s1 =	sshrl.u32 s1, $0x2  }
0xb9: {  	s3 =	sand.u32 $0x4000, s31;
	s1 =	sadd.s32 s1, s30  }
0xba: {  	s0 =	sor.u32 s3, s0;
	s1 =	sshll.u32 s1, $0x11  }
0xbb: {  	s0 =	sor.u32 s1, s0  }
0xbc: {  	s0 =	sadd.s32 $0x8F2B, s0  }
0xbd: {  	[sflag:s0] =	ssyncadd.remote.s32 $0x1  }
0xbe: {  	_ =	sfence.sel $0xFFFF  }
0xbf: {  	[dreg:$0x0] =	wrdreg $0xFFFFFFFF;
	(pc) =	sbr.abs _section_cstart, $3  }
0xc0: {  	[dreg:$0x1] =	wrdreg $0xFFFFFFFF  }
0xc1: {  	_ =	task.clear_ibuf [dreg:s6], $0x2FFFF;
	_ =	strace $0x9FFFFFFF  }
0xc2: {  	(tm) =	ssettm $0x7FFFFFFF  }
0xc3: {  	_ =	shalt  }
tec
execute0_lowered:
.L_overlay_start_1:
0x0: {  	(tag) =	ssettag $0x1  }
0x1: {  	s4 =	rddreg [dreg:$0x0];
	s0 =	srdreg.scid  }
0x2: {  	s6 =	stileid.u32;
	s1 =	rddreg [dreg:$0x1]  }
0x3: {  	s2 =	simm.s32 $0x0;
	s10 =	simm.s32 $0x2800;
	s11 =	simm.s32 $0x0  }
0x4: {  	s3 =	sand.u32 $0x1, s0;
	s5 =	sshll.u32 s6, $0x1;
	s0 =	rddreg [dreg:$0x2]  }
0x5: {  	[smem:$0x7FF] =	sst s2;
	p0 =	sne.s32 s6, $0x0;
	s5 =	sor.u32 s3, s5  }
0x6: {  	_ =	strace $0x80000047;
	s7 =	ssub.s32 $0x2, s3;
	s8 =	sshll.u32 s3, $0x4  }
0x7: {  	s3 =	sadd.s32 $0x16E00, s4;
	s5 =	smul.u32 $0x500, s5;
	s9 =	sshrl.u32 s7, $0x1  }
0x8: {  	s8 =	sadd.s32 s8, s4;
	s7 =	ssub.s32 s7, s9;
	s9 =	simm.s32 $0x80  }
0x9: {  	s5 =	sadd.s32 s5, s4;
	s6 =	smax.u32 s7, $0x1;
	s7 =	sshrl.u32 @!p0 s1, $0x3  }
0xa: {  	v0 =	vimm.f32 $1.000000000e+00;
	s4 =	sadd.s32 $0x2E00, s5;
	s5 =	sadd.s32 $0x17400, s8;
	s8 =	simm.s32 $0x1  }
.LBB2_1:
0xb: {  	[tilespmem:$0x2800] =	vst v0  }
0xc: {  	[tilespmem:$0x2810] =	vst v0  }
0xd: {  	[tilespmem:$0x2820] =	vst v0  }
0xe: {  	[tilespmem:$0x2830] =	vst v0  }
0xf: {  	[tilespmem:$0x2840] =	vst v0  }
0x10: {  	[tilespmem:$0x2850] =	vst v0  }
0x11: {  	[tilespmem:$0x2860] =	vst v0  }
0x12: {  	[tilespmem:$0x2870] =	vst v0;
	s12 =	simm.s32 @!p0 $0x1C01  }
0x13: {  	[spmem:s7], [sflag:s12] =	dma.local @!p0 [hbm:s3], $0x500  }
0x14: {  	s12 =	simm.s32 @!p0 $0x1  }
0x15: {  	_ =	swait.ge @!p0 [sflag:s12], $0x500  }
0x16: {  	[sflag:s12] =	ssyncset.done @!p0 $0x0  }
0x17: {  	[sflag:s12] =	ssyncadd.s32 @!p0 $0xFFFFFB00  }
0x18: {  	[tilespmem:s2], [sflag:$0x1] =	stream.linear.gather [hbm4b:s4+s2], $0x2800, $0x38;
	[tilespmem:$0x2B00] =	vst v63  }
0x19: {  	_ =	swait.ge [sflag:s8], $0x2800  }
0x1a: {  	[sflag:s8] =	ssyncset.done $0x0  }
0x1b: {  	[sflag:s8] =	ssyncadd.s32 $0xFFFFD800  }
0x1c: {  	s31 =	simm.s32 $0x0;
	[bflag:$0x0] =	sbarrier.arrive $0xFFFF  }
0x1d: {  	[spmem:s1] =	stream.indirect.scatter.add.f32 [tilespmem:s10], [sflag:$0x1], $0x1, s31, s9, $0xb8;
	[tilespmem:$0x2B00] =	vst v63  }
0x1e: {  	_ =	swait.ge [sflag:s8], $0x80  }
0x1f: {  	s12 =	simm.s32 $0x200;
	[sflag:s8] =	ssyncset.done $0x0  }
.LBB2_2:
0x20: {  	s13 =	sshra.s32 s12, $0x2;
	[sflag:s8] =	ssyncadd.s32 $0xFFFFFF80;
	p1 =	sne.s32 s12, $0x9E00  }
0x21: {  	[spmem:s1] =	stream.indirect.scatter.add.f32 [tilespmem:s10], [sflag:$0x1], $0x1, s13, s9, $0xb8;
	[tilespmem:$0x2B00] =	vst v63  }
.Ltmp0:
0x22: {  	_ = 	snop;
	(pc) =	sbr.rel @p1 .LBB2_2-.Ltmp0, $4  }
0x23: {  	_ = 	snop  }
0x24: {  	s12 =	sadd.s32 $0x200, s12  }
0x25: {  	_ =	swait.ge [sflag:s8], $0x80  }
0x26: {  	[sflag:s8] =	ssyncset.done $0x0  }
0x27: {  	[sflag:s8] =	ssyncadd.s32 $0xFFFFFF80;
	s12 =	simm.s32 @!p0 $0x1;
	s11 =	sadd.s32 $0x1, s11  }
0x28: {  	s13 =	simm.s32 @!p0 $0x20;
	s14 =	simm.s32 @!p0 $0x10;
	p1 =	sne.s32 s11, s6  }
.Ltmp1:
0x29: {  	s15 =	simm.s32 @!p0 $0x1C01;
	[bflag:$0x0] =	sbarrier.arrive $0xFFFF;
	(pc) =	sbr.rel @p1 .LBB2_1-.Ltmp1, $4  }
0x2a: {  	[hbm:s5@s13], [sflag:s15] =	dma.strided @!p0 [spmem:s7@s14], $0x500, s12, $0x10   }
0x2b: {  	_ =	swait.ge @!p0 [sflag:s12], $0x500  }
0x2c: {  	[sflag:s12] =	ssyncset.done @!p0 $0x0  }
0x2d: {  	[sflag:s12] =	ssyncadd.s32 @!p0 $0xFFFFFB00  }
0x2e: {  	_ =	sfence.sel $0x180000  }
0x2f: {  	[bflag:$0x0] =	sbarrier.arrive $0xFFFF  }
0x30: {  	_ =	strace $0x90000047  }
0x31: {  	s0 =	sadd.s32 @!p0 $0x100000, s0;
	[bflag:$0x2] =	sbarrier.arrive $0xFFFF  }
0x32: {  	[sflag:s0] =	ssyncadd.tile.s32 @!p0 $0x1;
	_ =	shalt  }
.Lfunc_end2:
_tile_overlayer_lowered:
.L_overlay_start_2:
0x33: {  	(tag) =	ssettag $0x2  }
0x34: {  	s0 =	rddreg [dreg:$0x0];
	s2 =	stileid.u32  }
0x35: {  	s1 =	rddreg [dreg:$0x1];
	p0 =	sne.s32 s2, $0x0  }
0x36: {  	s3 =	rddreg [dreg:$0x2];
	[bflag:$0x3] =	sbarrier.arrive $0xFFFF;
	s2 =	simm.s32 @!p0 $0x1C01  }
0x37: {  	[timem:s3], [sflag:s2] =	dma.local @!p0 [hbm:s0], s1  }
0x38: {  	s0 =	simm.s32 @!p0 $0x1  }
0x39: {  	_ =	swait.ge @!p0 [sflag:s0], s1  }
0x3a: {  	s1 =	ssub.s32 @!p0 $0x0, s1;
	[sflag:s0] =	ssyncset.done @!p0 $0x0  }
0x3b: {  	[sflag:s0] =	ssyncadd.s32 @!p0 s1  }
0x3c: {  	[bflag:$0x3] =	sbarrier.arrive $0xFFFF  }
0x3d: {  	_ =	shalt  }

// kernel: kernel.13.cloned.1.call-start
scs
__scs_entry_jumppad:
0x0: {  	(pc) =	sbr.rel $0x88, $3  }
0x1: {  	(tag) =	ssettag $0x0;
	lr =	simm.s32 $0x1  }
0x2: {  	[smem:$0x3F96] =	sst lr;
	_ =	strace $0xD0000000  }
0x3: {  	_ = 	snop  }
0x4: {  	_ = 	snop  }
0x5: {  	_ = 	snop  }
0x6: {  	_ = 	snop  }
0x7: {  	_ = 	snop  }
__scs_overlays_trampoline_lowered:
0x8: {  	[smem:$0x3FA5] =	sst s0  }
0x9: {  	[smem:$0x3FA6] =	sst s1  }
0xa: {  	[smem:$0x3FA7] =	sst s2  }
0xb: {  	[smem:$0x3FA8] =	sst s3  }
0xc: {  	[smem:$0x3FA9] =	sst s4  }
0xd: {  	[smem:$0x3FAA] =	sst s5  }
0xe: {  	[smem:$0x3FAB] =	sst s6  }
0xf: {  	[smem:$0x3FAC] =	sst s7  }
0x10: {  	[smem:$0x3FAD] =	sst s8  }
0x11: {  	[smem:$0x3FAE] =	sst s9;
	s0 =	simm.s32 @!p0 $0x0  }
0x12: {  	s1 =	sld [smem:$0x3F94];
	s0 =	simm.s32 @p0 $0x1  }
0x13: {  	[smem:$0x3FAF] =	sst s0;
	s0 =	simm.s32 @!p1 $0x0  }
0x14: {  	s2 =	sld [smem:$0x3F93];
	s0 =	simm.s32 @p1 $0x1  }
0x15: {  	[smem:$0x3FB0] =	sst s0;
	s0 =	simm.s32 @!p2 $0x0  }
0x16: {  	s3 =	sld [smem:$0x3FDB];
	s0 =	simm.s32 @p2 $0x1  }
0x17: {  	s4 =	simm.s32 $0x1BF5;
	[smem:$0x3FB2] =	sst s0  }
0x18: {  	s0 =	sld [smem:$0x3F95];
	_ =	swait.ge [sflag:s4], $0x0  }
0x19: {  	s7 =	sld [smem:$0x3F96]  }
0x1a: {  	s8 =	sadd.s32 $0xFFFFE003, lr  }
0x1b: {  	s9 =	sadd.s32 $0xFFFFFEF7, lr;
	s5 =	simm.s32 $0xFFFFFFFF;
	p2 =	slt.u32 s8, $0xFFFFF086  }
0x1c: {  	p1 =	slt.u32 s9, $0xF7A;
	s5 =	simm.s32 @!p2 $0x0  }
0x1d: {  	s5 =	simm.s32 @p1 $0x1;
	p0 =	seq.s32 s7, s2  }
0x1e: {  	s7 =	smul.u32 @!p0 $0xF7A, s2;
	p2 =	seq.s32 @!p0 s5, $0x0  }
0x1f: {  	s9 =	smul.u32 $0xF7A, s1;
	s8 =	simm.s32 @!p0 $0x1BF5;
	p2 =	por !p2, p0  }
0x20: {  	[sflag:s8] =	ssyncset.s32 @!p0 $0xFFFFF086;
	s6 =	sadd.s32 @!p0 s3, s7;
	s7 =	simm.s32 @!p0 $0x108  }
0x21: {  	s3 =	sadd.s32 s3, s9;
	s6 =	sadd.s32 @!p0 $0x88, s6;
	s7 =	simm.s32 @p2 $0x1082  }
0x22: {  	[simem:s7], [sflag:s8] =	dma.local @!p0 [hbm:s6], $0xF7A  }
0x23: {  	s9 =	sor.u32 $0xD0000000, s2;
	s6 =	simm.s32 $0x108;
	_ =	swait.ge @!p0 [sflag:s8], $0x0  }
0x24: {  	s3 =	sadd.s32 $0x88, s3;
	s6 =	simm.s32 @!p1 $0x1082;
	[sflag:s4] =	ssyncset.s32 $0xFFFFF086  }
0x25: {  	[simem:s6], [sflag:s4] =	dma.local [hbm:s3], $0xF7A  }
0x26: {  	[smem:$0x3F96] =	sst s1;
	(tag) =	ssettag s2;
	_ =	strace s9  }
0x27: {  	s1 =	sld [smem:$0x3FA6]  }
0x28: {  	s2 =	sld [smem:$0x3FA7]  }
0x29: {  	s4 =	sld [smem:$0x3FA9]  }
0x2a: {  	p0 =	seq.s32 s5, $0x0;
	s5 =	sld [smem:$0x3FAA]  }
0x2b: {  	s6 =	sld [smem:$0x3FAB]  }
0x2c: {  	s7 =	sld [smem:$0x3FAC]  }
0x2d: {  	s3 =	simm.s32 $0x108;
	s8 =	sld [smem:$0x3FAD]  }
0x2e: {  	s3 =	simm.s32 @!p0 $0x1082;
	s9 =	sld [smem:$0x3FAE]  }
0x2f: {  	lr =	sadd.s32 s0, s3;
	s0 =	sld [smem:$0x3FA5]  }
0x30: {  	s3 =	sld [smem:$0x3FA8]  }
0x31: {  	[smem:$0x3FB1] =	sst s10  }
0x32: {  	s10 =	sld [smem:$0x3FAF];
	_ =	sdelay $0x3  }
0x33: {  	p0 =	seq.s32 s10, $0x1;
	s10 =	sld [smem:$0x3FB1];
	_ =	sdelay $0x3  }
0x34: {  	[smem:$0x3FB1] =	sst s10  }
0x35: {  	s10 =	sld [smem:$0x3FB0];
	_ =	sdelay $0x3  }
0x36: {  	p1 =	seq.s32 s10, $0x1;
	s10 =	sld [smem:$0x3FB1];
	_ =	sdelay $0x3  }
0x37: {  	[smem:$0x3FB1] =	sst s10  }
0x38: {  	s10 =	sld [smem:$0x3FB2]  }
0x39: {  	_ = 	snop;
	(pc) =	sbr.ind lr, $3  }
0x3a: {  	_ = 	snop  }
0x3b: {  	_ = 	snop  }
0x3c: {  	p2 =	seq.s32 s10, $0x1;
	s10 =	sld [smem:$0x3FB1]  }
0x3d: {  	_ =	shalt  }
0x3e: {  	_ =	shalt  }
0x3f: {  	_ =	shalt  }
0x40: {  	_ =	shalt  }
0x41: {  	_ =	shalt  }
0x42: {  	_ =	shalt  }
0x43: {  	_ =	shalt  }
0x44: {  	_ =	shalt  }
0x45: {  	_ =	shalt  }
0x46: {  	_ =	shalt  }
0x47: {  	_ =	shalt  }
0x48: {  	_ =	shalt  }
0x49: {  	_ =	shalt  }
0x4a: {  	_ =	shalt  }
0x4b: {  	_ =	shalt  }
0x4c: {  	_ =	shalt  }
0x4d: {  	_ =	shalt  }
0x4e: {  	_ =	shalt  }
0x4f: {  	_ =	shalt  }
0x50: {  	_ =	shalt  }
0x51: {  	_ =	shalt  }
0x52: {  	_ =	shalt  }
0x53: {  	_ =	shalt  }
0x54: {  	_ =	shalt  }
0x55: {  	_ =	shalt  }
0x56: {  	_ =	shalt  }
0x57: {  	_ =	shalt  }
0x58: {  	_ =	shalt  }
0x59: {  	_ =	shalt  }
0x5a: {  	_ =	shalt  }
0x5b: {  	_ =	shalt  }
0x5c: {  	_ =	shalt  }
0x5d: {  	_ =	shalt  }
0x5e: {  	_ =	shalt  }
0x5f: {  	_ =	shalt  }
0x60: {  	_ =	shalt  }
0x61: {  	_ =	shalt  }
0x62: {  	_ =	shalt  }
0x63: {  	_ =	shalt  }
0x64: {  	_ =	shalt  }
0x65: {  	_ =	shalt  }
0x66: {  	_ =	shalt  }
0x67: {  	_ =	shalt  }
0x68: {  	_ =	shalt  }
0x69: {  	_ =	shalt  }
0x6a: {  	_ =	shalt  }
0x6b: {  	_ =	shalt  }
0x6c: {  	_ =	shalt  }
0x6d: {  	_ =	shalt  }
0x6e: {  	_ =	shalt  }
0x6f: {  	_ =	shalt  }
0x70: {  	_ =	shalt  }
0x71: {  	_ =	shalt  }
0x72: {  	_ =	shalt  }
0x73: {  	_ =	shalt  }
0x74: {  	_ =	shalt  }
0x75: {  	_ =	shalt  }
0x76: {  	_ =	shalt  }
0x77: {  	_ =	shalt  }
0x78: {  	_ =	shalt  }
0x79: {  	_ =	shalt  }
0x7a: {  	_ =	shalt  }
0x7b: {  	_ =	shalt  }
0x7c: {  	_ =	shalt  }
0x7d: {  	_ =	shalt  }
0x7e: {  	_ =	shalt  }
0x7f: {  	_ =	shalt  }
0x80: {  	_ =	shalt  }
0x81: {  	_ =	shalt  }
0x82: {  	_ =	shalt  }
0x83: {  	_ =	shalt  }
0x84: {  	_ =	shalt  }
0x85: {  	_ =	shalt  }
0x86: {  	_ =	shalt  }
0x87: {  	_ =	shalt  }
.Lfunc_end0:
.L_simem_size_0:
called_computation.1_lowered:
.L_overlay_start_0:
0x88: {  	s2 =	sld [smem:$0x3FD9]  }
0x89: {  	s3 =	sld [smem:$0x3FFE];
	_ =	sdelay $0x1  }
0x8a: {  	s1 =	srdreg.scid  }
0x8b: {  	s0 =	sand.u32 $0x1, s1  }
0x8c: {  	s17 =	sshll.u32 s0, $0xA;
	s2 =	sadd.s32 s3, s2  }
0x8d: {  	s2 =	sadd.s32 s2, s17  }
0x8e: {  	[smem:$0x3FBD] =	sst s2  }
0x8f: {  	_ = 	snop  }
0x90: {  	s18 =	sld [smem:$0x3FD0];
	(tm) =	ssettm $0x1  }
0x91: {  	s19 =	sld [smem:$0x3FFB];
	_ =	sdelay $0x3  }
0x92: {  	_ =	strace s19  }
0x93: {  	s2 =	sld [smem:$0x3FFC];
	_ =	sdelay $0x3  }
0x94: {  	_ =	strace s2  }
0x95: {  	s2 =	sld [smem:$0x3FFD];
	_ =	sdelay $0x3  }
0x96: {  	_ =	strace s2  }
0x97: {  	_ =	strace $0x8FFFFFFF  }
0x98: {  	s20 =	sld [smem:$0x3FDB];
	_ =	sdelay $0x1  }
0x99: {  	s4 =	simm.s32 $_scs_section_size  }
0x9a: {  	s5 =	simm.s32 $_size__tile_overlayer_lowered;
	s6 =	simm.s32 $_tile_overlayer_lowered  }
0x9b: {  	s7 =	simm.s32 $0x1BFF;
	s21 =	sshll.u32 s6, $0x1;
	s4 =	sadd.s32 s4, s20  }
0x9c: {  	s22 =	simm.s32 $0x0;
	s5 =	sshll.u32 s5, $0x1;
	s6 =	sadd.s32 s21, s4  }
0x9d: {  	[timem:s22], [sflag:s7] =	dma.local [hbm:s6], s5  }
0x9e: {  	_ =	swait.ge [sflag:s7], s5  }
0x9f: {  	s5 =	ssub.s32 $0x0, s5;
	[sflag:s7] =	ssyncset.done $0x0  }
0xa0: {  	[sflag:s7] =	ssyncadd.s32 s5;
	_ =	sdelay $0x1  }
0xa1: {  	s23 =	simm.s32 $0x1B8B  }
0xa2: {  	_ =	swait.ge [sflag:s23], $0x1  }
0xa3: {  	[sflag:s23] =	ssyncset.done $0x0  }
0xa4: {  	[sflag:s23] =	ssyncadd.s32 $0xFFFFFFFF  }
0xa5: {  	s5 =	sld [smem:$0x0]  }
0xa6: {  	s6 =	sand.u32 $0xFFFFFFFE, s1  }
0xa7: {  	p0 =	sne.s32 s1, s6  }
0xa8: {  	s6 =	sshll.u32 @p0 s6, $0xE  }
0xa9: {  	s6 =	sadd.s32 @p0 $0x11B8D, s6;
	s7 =	sshll.u32 @p0 s5, $0x11  }
0xaa: {  	s6 =	sor.u32 @p0 s7, s6  }
0xab: {  	[sflag:s6] =	ssyncadd.remote.s32 @p0 $0x1;
	_ =	sdelay $0x1  }
0xac: {  	s6 =	simm.s32 @p0 $0x1B8D  }
0xad: {  	_ =	swait.eq @p0 [sflag:s6], $0x1  }
0xae: {  	[sflag:s6] =	ssyncadd.s32 @p0 $0xFFFFFFFF  }
0xaf: {  	s7 =	sshll.u32 @!p0 s1, $0xE  }
0xb0: {  	s7 =	sor.u32 @!p0 $0x4000, s7;
	s6 =	simm.s32 @!p0 $0x1B8D  }
0xb1: {  	s5 =	sshll.u32 @!p0 s5, $0x11;
	s7 =	sadd.s32 @!p0 $0x11B8D, s7;
	_ =	swait.eq @!p0 [sflag:s6], $0x1  }
0xb2: {  	s5 =	sor.u32 @!p0 s5, s7;
	[sflag:s6] =	ssyncadd.s32 @!p0 $0xFFFFFFFF  }
0xb3: {  	s25 =	simm.s32 $0x1B8E;
	s24 =	sld [smem:$0x3FFE];
	[sflag:s5] =	ssyncadd.remote.s32 @!p0 $0x1  }
0xb4: {  	s26 =	simm.s32 $execute0_lowered;
	[smem:$0x3FD2] =	sst s25  }
0xb5: {  	s6 =	sshll.u32 s26, $0x1;
	_ =	strace $0x80000049;
	[dreg:$0x1] =	wrdreg $0xFFFFFFFF  }
0xb6: {  	s28 =	simm.s32 $_size_execute0_lowered;
	s4 =	sadd.s32 s4, s6;
	[dreg:$0x0] =	wrdreg $0x0  }
0xb7: {  	s6 =	sshll.u32 s28, $0x1;
	[dreg:$0x2] =	wrdreg s4  }
0xb8: {  	[dreg:$0x3] =	wrdreg s6  }
0xb9: {  	[dreg:$0x4] =	wrdreg $0xC0  }
0xba: {  	_ =	task [dreg:s22], $0x5FFFF  }
0xbb: {  	[dreg:$0x1] =	wrdreg $0xFFFFFFFF  }
0xbc: {  	[dreg:$0x0] =	wrdreg $0x60  }
0xbd: {  	[dreg:$0x2] =	wrdreg s24  }
0xbe: {  	[dreg:$0x3] =	wrdreg s18  }
0xbf: {  	[dreg:$0x4] =	wrdreg $0x41000  }
0xc0: {  	[dreg:$0x5] =	wrdreg $0xA  }
0xc1: {  	_ =	task.clear_ibuf [dreg:s22], $0x6FFFF;
	_ =	strace $0x90000049  }
0xc2: {  	s29 =	simm.s32 $0xA;
	_ =	strace $0x8000004B  }
0xc3: {  	_ =	swait.ge [sflag:s29], $0x1  }
0xc4: {  	[sflag:s29] =	ssyncadd.s32 $0xFFFFFFFF  }
0xc5: {  	_ =	strace $0x9000004B  }
0xc6: {  	_ =	sfence  }
0xc7: {  	s30 =	sld [smem:$0x0];
	_ =	sdelay $0x2  }
0xc8: {  	s31 =	sshll.u32 s1, $0xD;
	s1 =	sshrl.u32 s1, $0x2  }
0xc9: {  	s4 =	sand.u32 $0x4000, s31;
	s1 =	sadd.s32 s1, s30  }
0xca: {  	s0 =	sor.u32 s4, s0;
	s1 =	sshll.u32 s1, $0x11  }
0xcb: {  	s0 =	sor.u32 s1, s0  }
0xcc: {  	s0 =	sadd.s32 $0x8F2B, s0  }
0xcd: {  	[sflag:s0] =	ssyncadd.remote.s32 $0x1  }
0xce: {  	_ =	sfence.sel $0xFFFF  }
0xcf: {  	[dreg:$0x0] =	wrdreg $0xFFFFFFFF;
	(pc) =	sbr.abs _section_cstart, $3  }
0xd0: {  	[dreg:$0x1] =	wrdreg $0xFFFFFFFF  }
0xd1: {  	_ =	task.clear_ibuf [dreg:s22], $0x2FFFF;
	_ =	strace $0x9FFFFFFF  }
0xd2: {  	(tm) =	ssettm $0x7FFFFFFF  }
0xd3: {  	_ =	shalt  }
tec
execute0_lowered:
.L_overlay_start_1:
0x0: {  	(tag) =	ssettag $0x1  }
0x1: {  	s5 =	rddreg [dreg:$0x0]  }
0x2: {  	s7 =	rddreg [dreg:$0x1]  }
0x3: {  	s1 =	rddreg [dreg:$0x2]  }
0x4: {  	s0 =	rddreg [dreg:$0x3];
	s2 =	simm.s32 $0x0;
	s3 =	srdreg.scid  }
0x5: {  	s9 =	stileid.u32;
	s13 =	simm.s32 $0x1;
	s14 =	simm.s32 $0x0  }
0x6: {  	[smem:$0x7FF] =	sst s2;
	s6 =	sand.u32 $0x1, s3;
	s8 =	sshll.u32 s9, $0x5  }
0x7: {  	s3 =	sadd.s32 $0x17E00, s5;
	s4 =	sadd.s32 $0x3FE00, s5;
	p0 =	sne.s32 s9, $0x0  }
0x8: {  	_ =	strace $0x8000004A;
	s10 =	smul.u32 $0x28000, s6;
	s11 =	sadd.s32 s8, s5  }
0x9: {  	s12 =	ssub.s32 $0x2, s6;
	s30 =	sshll.u32 s6, $0x4;
	s7 =	sadd.s32 s8, s7  }
0xa: {  	s9 =	sshrl.u32 @!p0 s1, $0x3;
	s29 =	sshrl.u32 s12, $0x1;
	s31 =	sadd.s32 s30, s11  }
0xb: {  	s7 =	sadd.s32 s30, s7;
	s11 =	simm.s32 $0x80;
	s5 =	sadd.s32 s10, s5  }
0xc: {  	s10 =	ssub.s32 s12, s29;
	s8 =	sadd.s32 $0xCE00, s31;
	s12 =	simm.s32 $0x100  }
0xd: {  	s5 =	sadd.s32 $0x67E00, s5;
	s6 =	smax.u32 s10, $0x1;
	s10 =	simm.s32 $0x2  }
.LBB2_1:
0xe: {  	s15 =	simm.s32 @!p0 $0x1C02  }
0xf: {  	[spmem:s9], [sflag:s15] =	dma.local @!p0 [hbm:s4], $0x28000  }
0x10: {  	s15 =	simm.s32 @!p0 $0x2  }
0x11: {  	_ =	swait.ge @!p0 [sflag:s15], $0x28000  }
0x12: {  	[sflag:s15] =	ssyncset.done @!p0 $0x0  }
0x13: {  	[sflag:s15] =	ssyncadd.s32 @!p0 $0xFFFD8000  }
0x14: {  	s30 =	sadd.s32 $0x0, s7;
	[bflag:$0x0] =	sbarrier.arrive $0xFFFF  }
0x15: {  	[tilespmem:s2], [sflag:$0x2] =	stream.linear.gather [hbm4b:s30+s2], $0x80, $0x38;
	[tilespmem:$0x18100] =	vst v63  }
0x16: {  	_ =	swait.ge [sflag:s10], $0x80  }
0x17: {  	[sflag:s10] =	ssyncset.done $0x0  }
0x18: {  	s31 =	sadd.s32 $0x0, s8;
	[sflag:s10] =	ssyncadd.s32 $0xFFFFFF80  }
0x19: {  	[tilespmem:s11], [sflag:$0x2] =	stream.linear.gather [hbm4b:s31+s2], $0x80, $0x38;
	[tilespmem:$0x18100] =	vst v63  }
0x1a: {  	_ =	swait.ge [sflag:s10], $0x80  }
0x1b: {  	[sflag:s10] =	ssyncset.done $0x0  }
0x1c: {  	[sflag:s10] =	ssyncadd.s32 $0xFFFFFF80  }
0x1d: {  	[tilespmem:s12], [sflag:$0x1] =	stream.indirect.gather [hbm4b:s3+s11], $0x80, s2, s11, $0xb8;
	[tilespmem:$0x18100] =	vst v63  }
0x1e: {  	_ =	swait.ge [sflag:s13], $0x4000  }
0x1f: {  	[sflag:s13] =	ssyncset.done $0x0  }
0x20: {  	[sflag:s13] =	ssyncadd.s32 $0xFFFFC000  }
0x21: {  	[spmem:s1] =	stream.indirect.scatter.add.f32 [tilespmem:s12], [sflag:$0x2], $0x80, s11, s11, $0xb8;
	[tilespmem:$0x18100] =	vst v63  }
0x22: {  	_ =	swait.ge [sflag:s10], $0x4000  }
0x23: {  	s16 =	simm.s32 $0x400;
	s15 =	simm.s32 $0x200;
	[sflag:s10] =	ssyncset.done $0x0  }
.LBB2_2:
0x24: {  	s17 =	sadd.s32 s15, s7  }
0x25: {  	[sflag:s10] =	ssyncadd.s32 $0xFFFFC000;
	s18 =	smov.u32 s16;
	s19 =	sadd.s32 $0x200, s16  }
0x26: {  	[tilespmem:s2], [sflag:$0x2] =	stream.linear.gather [hbm4b:s17+s2], $0x80, $0x38;
	[tilespmem:$0x18100] =	vst v63  }
0x27: {  	p1 =	sne.s32 s16, $0x9E00;
	_ =	swait.ge [sflag:s10], $0x80  }
0x28: {  	[sflag:s10] =	ssyncset.done $0x0  }
0x29: {  	s16 =	sadd.s32 s15, s8;
	s15 =	smov.u32 s18;
	[sflag:s10] =	ssyncadd.s32 $0xFFFFFF80  }
0x2a: {  	[tilespmem:s11], [sflag:$0x2] =	stream.linear.gather [hbm4b:s16+s2], $0x80, $0x38;
	[tilespmem:$0x18100] =	vst v63  }
0x2b: {  	_ =	swait.ge [sflag:s10], $0x80  }
0x2c: {  	[sflag:s10] =	ssyncset.done $0x0  }
0x2d: {  	[sflag:s10] =	ssyncadd.s32 $0xFFFFFF80  }
0x2e: {  	[tilespmem:s12], [sflag:$0x1] =	stream.indirect.gather [hbm4b:s3+s11], $0x80, s2, s11, $0xb8;
	[tilespmem:$0x18100] =	vst v63  }
0x2f: {  	_ =	swait.ge [sflag:s13], $0x4000  }
.Ltmp0:
0x30: {  	[sflag:s13] =	ssyncset.done $0x0;
	(pc) =	sbr.rel @p1 .LBB2_2-.Ltmp0, $4  }
0x31: {  	[sflag:s13] =	ssyncadd.s32 $0xFFFFC000  }
0x32: {  	[spmem:s1] =	stream.indirect.scatter.add.f32 [tilespmem:s12], [sflag:$0x2], $0x80, s11, s11, $0xb8;
	[tilespmem:$0x18100] =	vst v63  }
0x33: {  	_ =	swait.ge [sflag:s10], $0x4000  }
0x34: {  	s16 =	smov.u32 s19;
	[sflag:s10] =	ssyncset.done $0x0  }
0x35: {  	s16 =	sadd.s32 s15, s7;
	[sflag:s10] =	ssyncadd.s32 $0xFFFFC000  }
0x36: {  	[tilespmem:s2], [sflag:$0x2] =	stream.linear.gather [hbm4b:s16+s2], $0x80, $0x38;
	[tilespmem:$0x18100] =	vst v63  }
0x37: {  	_ =	swait.ge [sflag:s10], $0x80  }
0x38: {  	[sflag:s10] =	ssyncset.done $0x0  }
0x39: {  	s31 =	sadd.s32 s15, s8;
	[sflag:s10] =	ssyncadd.s32 $0xFFFFFF80  }
0x3a: {  	[tilespmem:s11], [sflag:$0x2] =	stream.linear.gather [hbm4b:s31+s2], $0x80, $0x38;
	[tilespmem:$0x18100] =	vst v63  }
0x3b: {  	_ =	swait.ge [sflag:s10], $0x80  }
0x3c: {  	[sflag:s10] =	ssyncset.done $0x0  }
0x3d: {  	[sflag:s10] =	ssyncadd.s32 $0xFFFFFF80  }
0x3e: {  	[tilespmem:s12], [sflag:$0x1] =	stream.indirect.gather [hbm4b:s3+s11], $0x80, s2, s11, $0xb8;
	[tilespmem:$0x18100] =	vst v63  }
0x3f: {  	_ =	swait.ge [sflag:s13], $0x4000  }
0x40: {  	[sflag:s13] =	ssyncset.done $0x0  }
0x41: {  	[sflag:s13] =	ssyncadd.s32 $0xFFFFC000  }
0x42: {  	[spmem:s1] =	stream.indirect.scatter.add.f32 [tilespmem:s12], [sflag:$0x2], $0x80, s11, s11, $0xb8;
	[tilespmem:$0x18100] =	vst v63  }
0x43: {  	_ =	swait.ge [sflag:s10], $0x4000  }
0x44: {  	[sflag:s10] =	ssyncset.done $0x0  }
0x45: {  	s14 =	sadd.s32 $0x1, s14;
	[sflag:s10] =	ssyncadd.s32 $0xFFFFC000  }
0x46: {  	s15 =	simm.s32 @!p0 $0x1C02;
	p1 =	sne.s32 s14, s6;
	[bflag:$0x0] =	sbarrier.arrive $0xFFFF  }
0x47: {  	[hbm:s5], [sflag:s15] =	dma.local @!p0 [spmem:s9], $0x28000  }
.Ltmp1:
0x48: {  	_ = 	snop;
	(pc) =	sbr.rel @p1 .LBB2_1-.Ltmp1, $4  }
0x49: {  	s15 =	simm.s32 @!p0 $0x2  }
0x4a: {  	_ =	swait.ge @!p0 [sflag:s15], $0x28000  }
0x4b: {  	[sflag:s15] =	ssyncset.done @!p0 $0x0  }
0x4c: {  	[sflag:s15] =	ssyncadd.s32 @!p0 $0xFFFD8000  }
0x4d: {  	_ =	sfence.sel $0x180000  }
0x4e: {  	[bflag:$0x0] =	sbarrier.arrive $0xFFFF  }
0x4f: {  	_ =	strace $0x9000004A  }
0x50: {  	s0 =	sadd.s32 @!p0 $0x100000, s0;
	[bflag:$0x2] =	sbarrier.arrive $0xFFFF  }
0x51: {  	[sflag:s0] =	ssyncadd.tile.s32 @!p0 $0x1;
	_ =	shalt  }
.Lfunc_end2:
_tile_overlayer_lowered:
.L_overlay_start_2:
0x52: {  	(tag) =	ssettag $0x2  }
0x53: {  	s0 =	rddreg [dreg:$0x0];
	s2 =	stileid.u32  }
0x54: {  	s1 =	rddreg [dreg:$0x1];
	p0 =	sne.s32 s2, $0x0  }
0x55: {  	s3 =	rddreg [dreg:$0x2];
	[bflag:$0x3] =	sbarrier.arrive $0xFFFF;
	s2 =	simm.s32 @!p0 $0x1C02  }
0x56: {  	[timem:s3], [sflag:s2] =	dma.local @!p0 [hbm:s0], s1  }
0x57: {  	s0 =	simm.s32 @!p0 $0x2  }
0x58: {  	_ =	swait.ge @!p0 [sflag:s0], s1  }
0x59: {  	s1 =	ssub.s32 @!p0 $0x0, s1;
	[sflag:s0] =	ssyncset.done @!p0 $0x0  }
0x5a: {  	[sflag:s0] =	ssyncadd.s32 @!p0 s1  }
0x5b: {  	[bflag:$0x3] =	sbarrier.arrive $0xFFFF  }
0x5c: {  	_ =	shalt  }

// kernel: kernel.16.cloned.1.call-start
scs
__scs_entry_jumppad:
0x0: {  	(pc) =	sbr.rel $0x88, $3  }
0x1: {  	(tag) =	ssettag $0x0;
	lr =	simm.s32 $0x1  }
0x2: {  	[smem:$0x3F96] =	sst lr;
	_ =	strace $0xD0000000  }
0x3: {  	_ = 	snop  }
0x4: {  	_ = 	snop  }
0x5: {  	_ = 	snop  }
0x6: {  	_ = 	snop  }
0x7: {  	_ = 	snop  }
__scs_overlays_trampoline_lowered:
0x8: {  	[smem:$0x3FA5] =	sst s0  }
0x9: {  	[smem:$0x3FA6] =	sst s1  }
0xa: {  	[smem:$0x3FA7] =	sst s2  }
0xb: {  	[smem:$0x3FA8] =	sst s3  }
0xc: {  	[smem:$0x3FA9] =	sst s4  }
0xd: {  	[smem:$0x3FAA] =	sst s5  }
0xe: {  	[smem:$0x3FAB] =	sst s6  }
0xf: {  	[smem:$0x3FAC] =	sst s7  }
0x10: {  	[smem:$0x3FAD] =	sst s8  }
0x11: {  	[smem:$0x3FAE] =	sst s9;
	s0 =	simm.s32 @!p0 $0x0  }
0x12: {  	s1 =	sld [smem:$0x3F94];
	s0 =	simm.s32 @p0 $0x1  }
0x13: {  	[smem:$0x3FAF] =	sst s0;
	s0 =	simm.s32 @!p1 $0x0  }
0x14: {  	s2 =	sld [smem:$0x3F93];
	s0 =	simm.s32 @p1 $0x1  }
0x15: {  	[smem:$0x3FB0] =	sst s0;
	s0 =	simm.s32 @!p2 $0x0  }
0x16: {  	s3 =	sld [smem:$0x3FDB];
	s0 =	simm.s32 @p2 $0x1  }
0x17: {  	s4 =	simm.s32 $0x1BF5;
	[smem:$0x3FB2] =	sst s0  }
0x18: {  	s0 =	sld [smem:$0x3F95];
	_ =	swait.ge [sflag:s4], $0x0  }
0x19: {  	s7 =	sld [smem:$0x3F96]  }
0x1a: {  	s8 =	sadd.s32 $0xFFFFE003, lr  }
0x1b: {  	s9 =	sadd.s32 $0xFFFFFEF7, lr;
	s5 =	simm.s32 $0xFFFFFFFF;
	p2 =	slt.u32 s8, $0xFFFFF086  }
0x1c: {  	p1 =	slt.u32 s9, $0xF7A;
	s5 =	simm.s32 @!p2 $0x0  }
0x1d: {  	s5 =	simm.s32 @p1 $0x1;
	p0 =	seq.s32 s7, s2  }
0x1e: {  	s7 =	smul.u32 @!p0 $0xF7A, s2;
	p2 =	seq.s32 @!p0 s5, $0x0  }
0x1f: {  	s9 =	smul.u32 $0xF7A, s1;
	s8 =	simm.s32 @!p0 $0x1BF5;
	p2 =	por !p2, p0  }
0x20: {  	[sflag:s8] =	ssyncset.s32 @!p0 $0xFFFFF086;
	s6 =	sadd.s32 @!p0 s3, s7;
	s7 =	simm.s32 @!p0 $0x108  }
0x21: {  	s3 =	sadd.s32 s3, s9;
	s6 =	sadd.s32 @!p0 $0x88, s6;
	s7 =	simm.s32 @p2 $0x1082  }
0x22: {  	[simem:s7], [sflag:s8] =	dma.local @!p0 [hbm:s6], $0xF7A  }
0x23: {  	s9 =	sor.u32 $0xD0000000, s2;
	s6 =	simm.s32 $0x108;
	_ =	swait.ge @!p0 [sflag:s8], $0x0  }
0x24: {  	s3 =	sadd.s32 $0x88, s3;
	s6 =	simm.s32 @!p1 $0x1082;
	[sflag:s4] =	ssyncset.s32 $0xFFFFF086  }
0x25: {  	[simem:s6], [sflag:s4] =	dma.local [hbm:s3], $0xF7A  }
0x26: {  	[smem:$0x3F96] =	sst s1;
	(tag) =	ssettag s2;
	_ =	strace s9  }
0x27: {  	s1 =	sld [smem:$0x3FA6]  }
0x28: {  	s2 =	sld [smem:$0x3FA7]  }
0x29: {  	s4 =	sld [smem:$0x3FA9]  }
0x2a: {  	p0 =	seq.s32 s5, $0x0;
	s5 =	sld [smem:$0x3FAA]  }
0x2b: {  	s6 =	sld [smem:$0x3FAB]  }
0x2c: {  	s7 =	sld [smem:$0x3FAC]  }
0x2d: {  	s3 =	simm.s32 $0x108;
	s8 =	sld [smem:$0x3FAD]  }
0x2e: {  	s3 =	simm.s32 @!p0 $0x1082;
	s9 =	sld [smem:$0x3FAE]  }
0x2f: {  	lr =	sadd.s32 s0, s3;
	s0 =	sld [smem:$0x3FA5]  }
0x30: {  	s3 =	sld [smem:$0x3FA8]  }
0x31: {  	[smem:$0x3FB1] =	sst s10  }
0x32: {  	s10 =	sld [smem:$0x3FAF];
	_ =	sdelay $0x3  }
0x33: {  	p0 =	seq.s32 s10, $0x1;
	s10 =	sld [smem:$0x3FB1];
	_ =	sdelay $0x3  }
0x34: {  	[smem:$0x3FB1] =	sst s10  }
0x35: {  	s10 =	sld [smem:$0x3FB0];
	_ =	sdelay $0x3  }
0x36: {  	p1 =	seq.s32 s10, $0x1;
	s10 =	sld [smem:$0x3FB1];
	_ =	sdelay $0x3  }
0x37: {  	[smem:$0x3FB1] =	sst s10  }
0x38: {  	s10 =	sld [smem:$0x3FB2]  }
0x39: {  	_ = 	snop;
	(pc) =	sbr.ind lr, $3  }
0x3a: {  	_ = 	snop  }
0x3b: {  	_ = 	snop  }
0x3c: {  	p2 =	seq.s32 s10, $0x1;
	s10 =	sld [smem:$0x3FB1]  }
0x3d: {  	_ =	shalt  }
0x3e: {  	_ =	shalt  }
0x3f: {  	_ =	shalt  }
0x40: {  	_ =	shalt  }
0x41: {  	_ =	shalt  }
0x42: {  	_ =	shalt  }
0x43: {  	_ =	shalt  }
0x44: {  	_ =	shalt  }
0x45: {  	_ =	shalt  }
0x46: {  	_ =	shalt  }
0x47: {  	_ =	shalt  }
0x48: {  	_ =	shalt  }
0x49: {  	_ =	shalt  }
0x4a: {  	_ =	shalt  }
0x4b: {  	_ =	shalt  }
0x4c: {  	_ =	shalt  }
0x4d: {  	_ =	shalt  }
0x4e: {  	_ =	shalt  }
0x4f: {  	_ =	shalt  }
0x50: {  	_ =	shalt  }
0x51: {  	_ =	shalt  }
0x52: {  	_ =	shalt  }
0x53: {  	_ =	shalt  }
0x54: {  	_ =	shalt  }
0x55: {  	_ =	shalt  }
0x56: {  	_ =	shalt  }
0x57: {  	_ =	shalt  }
0x58: {  	_ =	shalt  }
0x59: {  	_ =	shalt  }
0x5a: {  	_ =	shalt  }
0x5b: {  	_ =	shalt  }
0x5c: {  	_ =	shalt  }
0x5d: {  	_ =	shalt  }
0x5e: {  	_ =	shalt  }
0x5f: {  	_ =	shalt  }
0x60: {  	_ =	shalt  }
0x61: {  	_ =	shalt  }
0x62: {  	_ =	shalt  }
0x63: {  	_ =	shalt  }
0x64: {  	_ =	shalt  }
0x65: {  	_ =	shalt  }
0x66: {  	_ =	shalt  }
0x67: {  	_ =	shalt  }
0x68: {  	_ =	shalt  }
0x69: {  	_ =	shalt  }
0x6a: {  	_ =	shalt  }
0x6b: {  	_ =	shalt  }
0x6c: {  	_ =	shalt  }
0x6d: {  	_ =	shalt  }
0x6e: {  	_ =	shalt  }
0x6f: {  	_ =	shalt  }
0x70: {  	_ =	shalt  }
0x71: {  	_ =	shalt  }
0x72: {  	_ =	shalt  }
0x73: {  	_ =	shalt  }
0x74: {  	_ =	shalt  }
0x75: {  	_ =	shalt  }
0x76: {  	_ =	shalt  }
0x77: {  	_ =	shalt  }
0x78: {  	_ =	shalt  }
0x79: {  	_ =	shalt  }
0x7a: {  	_ =	shalt  }
0x7b: {  	_ =	shalt  }
0x7c: {  	_ =	shalt  }
0x7d: {  	_ =	shalt  }
0x7e: {  	_ =	shalt  }
0x7f: {  	_ =	shalt  }
0x80: {  	_ =	shalt  }
0x81: {  	_ =	shalt  }
0x82: {  	_ =	shalt  }
0x83: {  	_ =	shalt  }
0x84: {  	_ =	shalt  }
0x85: {  	_ =	shalt  }
0x86: {  	_ =	shalt  }
0x87: {  	_ =	shalt  }
.Lfunc_end0:
.L_simem_size_0:
called_computation.2_lowered:
.L_overlay_start_0:
0x88: {  	s2 =	sld [smem:$0x3FD9]  }
0x89: {  	s3 =	sld [smem:$0x3FFE];
	_ =	sdelay $0x1  }
0x8a: {  	s1 =	srdreg.scid  }
0x8b: {  	s0 =	sand.u32 $0x1, s1  }
0x8c: {  	s17 =	sshll.u32 s0, $0xA;
	s2 =	sadd.s32 s3, s2  }
0x8d: {  	s2 =	sadd.s32 s2, s17  }
0x8e: {  	[smem:$0x3FBD] =	sst s2  }
0x8f: {  	_ = 	snop  }
0x90: {  	s2 =	sld [smem:$0x3FD0];
	(tm) =	ssettm $0x1  }
0x91: {  	s18 =	sld [smem:$0x3FFB];
	_ =	sdelay $0x3  }
0x92: {  	_ =	strace s18  }
0x93: {  	s3 =	sld [smem:$0x3FFC];
	_ =	sdelay $0x3  }
0x94: {  	_ =	strace s3  }
0x95: {  	s3 =	sld [smem:$0x3FFD];
	_ =	sdelay $0x3  }
0x96: {  	_ =	strace s3  }
0x97: {  	_ =	strace $0x8FFFFFFF  }
0x98: {  	s19 =	sld [smem:$0x3FDB];
	_ =	sdelay $0x1  }
0x99: {  	s4 =	simm.s32 $_scs_section_size  }
0x9a: {  	s5 =	simm.s32 $_size__tile_overlayer_lowered;
	s6 =	simm.s32 $_tile_overlayer_lowered  }
0x9b: {  	s22 =	simm.s32 $0x1BFF;
	s21 =	sshll.u32 s6, $0x1;
	s3 =	sadd.s32 s4, s19  }
0x9c: {  	s7 =	simm.s32 $0x0;
	s20 =	sshll.u32 s5, $0x1;
	s5 =	sadd.s32 s21, s3  }
0x9d: {  	[timem:s7], [sflag:s22] =	dma.local [hbm:s5], s20  }
0x9e: {  	_ =	swait.ge [sflag:s22], s20  }
0x9f: {  	s4 =	ssub.s32 $0x0, s20;
	[sflag:s22] =	ssyncset.done $0x0  }
0xa0: {  	[sflag:s22] =	ssyncadd.s32 s4;
	_ =	sdelay $0x1  }
0xa1: {  	s23 =	simm.s32 $0x1B8B  }
0xa2: {  	_ =	swait.ge [sflag:s23], $0x1  }
0xa3: {  	[sflag:s23] =	ssyncset.done $0x0  }
0xa4: {  	s25 =	simm.s32 $0x1B8E;
	s24 =	sld [smem:$0x3FFE];
	[sflag:s23] =	ssyncadd.s32 $0xFFFFFFFF  }
0xa5: {  	s26 =	simm.s32 $execute0_lowered;
	[smem:$0x3FD2] =	sst s25  }
0xa6: {  	s5 =	sshll.u32 s26, $0x1;
	_ =	strace $0x8000004C;
	[dreg:$0x1] =	wrdreg $0xFFFFFFFF  }
0xa7: {  	s28 =	simm.s32 $_size_execute0_lowered;
	s3 =	sadd.s32 s3, s5;
	[dreg:$0x0] =	wrdreg $0x0  }
0xa8: {  	s5 =	sshll.u32 s28, $0x1;
	[dreg:$0x2] =	wrdreg s3  }
0xa9: {  	[dreg:$0x3] =	wrdreg s5  }
0xaa: {  	[dreg:$0x4] =	wrdreg $0xC0  }
0xab: {  	_ =	task [dreg:s7], $0x5FFFF  }
0xac: {  	[dreg:$0x1] =	wrdreg $0xFFFFFFFF  }
0xad: {  	[dreg:$0x0] =	wrdreg $0x60  }
0xae: {  	[dreg:$0x2] =	wrdreg s24  }
0xaf: {  	[dreg:$0x3] =	wrdreg s2  }
0xb0: {  	[dreg:$0x4] =	wrdreg $0x41000  }
0xb1: {  	[dreg:$0x5] =	wrdreg $0x9  }
0xb2: {  	_ =	task.clear_ibuf [dreg:s7], $0x6FFFF;
	_ =	strace $0x9000004C  }
0xb3: {  	s29 =	simm.s32 $0x9;
	_ =	strace $0x8000004E  }
0xb4: {  	_ =	swait.ge [sflag:s29], $0x1  }
0xb5: {  	[sflag:s29] =	ssyncadd.s32 $0xFFFFFFFF  }
0xb6: {  	_ =	strace $0x9000004E  }
0xb7: {  	_ =	sfence  }
0xb8: {  	s30 =	sld [smem:$0x0];
	_ =	sdelay $0x2  }
0xb9: {  	s31 =	sshll.u32 s1, $0xD;
	s1 =	sshrl.u32 s1, $0x2  }
0xba: {  	s3 =	sand.u32 $0x4000, s31;
	s1 =	sadd.s32 s1, s30  }
0xbb: {  	s0 =	sor.u32 s3, s0;
	s1 =	sshll.u32 s1, $0x11  }
0xbc: {  	s0 =	sor.u32 s1, s0  }
0xbd: {  	s0 =	sadd.s32 $0x8F2B, s0  }
0xbe: {  	[sflag:s0] =	ssyncadd.remote.s32 $0x1  }
0xbf: {  	_ =	sfence.sel $0xFFFF  }
0xc0: {  	[dreg:$0x0] =	wrdreg $0xFFFFFFFF;
	(pc) =	sbr.abs _section_cstart, $3  }
0xc1: {  	[dreg:$0x1] =	wrdreg $0xFFFFFFFF  }
0xc2: {  	_ =	task.clear_ibuf [dreg:s7], $0x2FFFF;
	_ =	strace $0x9FFFFFFF  }
0xc3: {  	(tm) =	ssettm $0x7FFFFFFF  }
tec
execute0_lowered:
.L_overlay_start_1:
0x0: {  	(tag) =	ssettag $0x1  }
0x1: {  	s5 =	rddreg [dreg:$0x0]  }
0x2: {  	s7 =	rddreg [dreg:$0x1]  }
0x3: {  	s1 =	rddreg [dreg:$0x2]  }
0x4: {  	s0 =	rddreg [dreg:$0x3];
	s2 =	simm.s32 $0x0;
	s3 =	srdreg.scid  }
0x5: {  	s9 =	stileid.u32;
	s13 =	simm.s32 $0x1;
	s14 =	simm.s32 $0x0  }
0x6: {  	[smem:$0x7FF] =	sst s2;
	s6 =	sand.u32 $0x1, s3;
	s8 =	sshll.u32 s9, $0x5  }
0x7: {  	s3 =	sadd.s32 $0x16E00, s5;
	s4 =	sadd.s32 $0x3FE00, s5;
	p0 =	sne.s32 s9, $0x0  }
0x8: {  	_ =	strace $0x8000004D;
	s10 =	smul.u32 $0x28000, s6;
	s11 =	sadd.s32 s8, s5  }
0x9: {  	s12 =	ssub.s32 $0x2, s6;
	s30 =	sshll.u32 s6, $0x4;
	s7 =	sadd.s32 s8, s7  }
0xa: {  	s9 =	sshrl.u32 @!p0 s1, $0x3;
	s29 =	sshrl.u32 s12, $0x1;
	s31 =	sadd.s32 s30, s11  }
0xb: {  	s7 =	sadd.s32 s30, s7;
	s11 =	simm.s32 $0x80;
	s5 =	sadd.s32 s10, s5  }
0xc: {  	s10 =	ssub.s32 s12, s29;
	s8 =	sadd.s32 $0xCE00, s31;
	s12 =	simm.s32 $0x100  }
0xd: {  	s5 =	sadd.s32 $0x67E00, s5;
	s6 =	smax.u32 s10, $0x1;
	s10 =	simm.s32 $0x2  }
.LBB2_1:
0xe: {  	s15 =	simm.s32 @!p0 $0x1C02  }
0xf: {  	[spmem:s9], [sflag:s15] =	dma.local @!p0 [hbm:s4], $0x28000  }
0x10: {  	s15 =	simm.s32 @!p0 $0x2  }
0x11: {  	_ =	swait.ge @!p0 [sflag:s15], $0x28000  }
0x12: {  	[sflag:s15] =	ssyncset.done @!p0 $0x0  }
0x13: {  	[sflag:s15] =	ssyncadd.s32 @!p0 $0xFFFD8000  }
0x14: {  	s30 =	sadd.s32 $0x0, s7;
	[bflag:$0x0] =	sbarrier.arrive $0xFFFF  }
0x15: {  	[tilespmem:s2], [sflag:$0x2] =	stream.linear.gather [hbm4b:s30+s2], $0x80, $0x38;
	[tilespmem:$0x18100] =	vst v63  }
0x16: {  	_ =	swait.ge [sflag:s10], $0x80  }
0x17: {  	[sflag:s10] =	ssyncset.done $0x0  }
0x18: {  	s31 =	sadd.s32 $0x0, s8;
	[sflag:s10] =	ssyncadd.s32 $0xFFFFFF80  }
0x19: {  	[tilespmem:s11], [sflag:$0x2] =	stream.linear.gather [hbm4b:s31+s2], $0x80, $0x38;
	[tilespmem:$0x18100] =	vst v63  }
0x1a: {  	_ =	swait.ge [sflag:s10], $0x80  }
0x1b: {  	[sflag:s10] =	ssyncset.done $0x0  }
0x1c: {  	[sflag:s10] =	ssyncadd.s32 $0xFFFFFF80  }
0x1d: {  	[tilespmem:s12], [sflag:$0x1] =	stream.indirect.gather [hbm4b:s3+s11], $0x80, s2, s11, $0xb8;
	[tilespmem:$0x18100] =	vst v63  }
0x1e: {  	_ =	swait.ge [sflag:s13], $0x4000  }
0x1f: {  	[sflag:s13] =	ssyncset.done $0x0  }
0x20: {  	[sflag:s13] =	ssyncadd.s32 $0xFFFFC000  }
0x21: {  	[spmem:s1] =	stream.indirect.scatter.add.f32 [tilespmem:s12], [sflag:$0x2], $0x80, s11, s11, $0xb8;
	[tilespmem:$0x18100] =	vst v63  }
0x22: {  	_ =	swait.ge [sflag:s10], $0x4000  }
0x23: {  	s16 =	simm.s32 $0x400;
	s15 =	simm.s32 $0x200;
	[sflag:s10] =	ssyncset.done $0x0  }
.LBB2_2:
0x24: {  	s17 =	sadd.s32 s15, s7  }
0x25: {  	[sflag:s10] =	ssyncadd.s32 $0xFFFFC000;
	s18 =	smov.u32 s16;
	s19 =	sadd.s32 $0x200, s16  }
0x26: {  	[tilespmem:s2], [sflag:$0x2] =	stream.linear.gather [hbm4b:s17+s2], $0x80, $0x38;
	[tilespmem:$0x18100] =	vst v63  }
0x27: {  	p1 =	sne.s32 s16, $0x9E00;
	_ =	swait.ge [sflag:s10], $0x80  }
0x28: {  	[sflag:s10] =	ssyncset.done $0x0  }
0x29: {  	s16 =	sadd.s32 s15, s8;
	s15 =	smov.u32 s18;
	[sflag:s10] =	ssyncadd.s32 $0xFFFFFF80  }
0x2a: {  	[tilespmem:s11], [sflag:$0x2] =	stream.linear.gather [hbm4b:s16+s2], $0x80, $0x38;
	[tilespmem:$0x18100] =	vst v63  }
0x2b: {  	_ =	swait.ge [sflag:s10], $0x80  }
0x2c: {  	[sflag:s10] =	ssyncset.done $0x0  }
0x2d: {  	[sflag:s10] =	ssyncadd.s32 $0xFFFFFF80  }
0x2e: {  	[tilespmem:s12], [sflag:$0x1] =	stream.indirect.gather [hbm4b:s3+s11], $0x80, s2, s11, $0xb8;
	[tilespmem:$0x18100] =	vst v63  }
0x2f: {  	_ =	swait.ge [sflag:s13], $0x4000  }
.Ltmp0:
0x30: {  	[sflag:s13] =	ssyncset.done $0x0;
	(pc) =	sbr.rel @p1 .LBB2_2-.Ltmp0, $4  }
0x31: {  	[sflag:s13] =	ssyncadd.s32 $0xFFFFC000  }
0x32: {  	[spmem:s1] =	stream.indirect.scatter.add.f32 [tilespmem:s12], [sflag:$0x2], $0x80, s11, s11, $0xb8;
	[tilespmem:$0x18100] =	vst v63  }
0x33: {  	_ =	swait.ge [sflag:s10], $0x4000  }
0x34: {  	s16 =	smov.u32 s19;
	[sflag:s10] =	ssyncset.done $0x0  }
0x35: {  	s16 =	sadd.s32 s15, s7;
	[sflag:s10] =	ssyncadd.s32 $0xFFFFC000  }
0x36: {  	[tilespmem:s2], [sflag:$0x2] =	stream.linear.gather [hbm4b:s16+s2], $0x80, $0x38;
	[tilespmem:$0x18100] =	vst v63  }
0x37: {  	_ =	swait.ge [sflag:s10], $0x80  }
0x38: {  	[sflag:s10] =	ssyncset.done $0x0  }
0x39: {  	s31 =	sadd.s32 s15, s8;
	[sflag:s10] =	ssyncadd.s32 $0xFFFFFF80  }
0x3a: {  	[tilespmem:s11], [sflag:$0x2] =	stream.linear.gather [hbm4b:s31+s2], $0x80, $0x38;
	[tilespmem:$0x18100] =	vst v63  }
0x3b: {  	_ =	swait.ge [sflag:s10], $0x80  }
0x3c: {  	[sflag:s10] =	ssyncset.done $0x0  }
0x3d: {  	[sflag:s10] =	ssyncadd.s32 $0xFFFFFF80  }
0x3e: {  	[tilespmem:s12], [sflag:$0x1] =	stream.indirect.gather [hbm4b:s3+s11], $0x80, s2, s11, $0xb8;
	[tilespmem:$0x18100] =	vst v63  }
0x3f: {  	_ =	swait.ge [sflag:s13], $0x4000  }
0x40: {  	[sflag:s13] =	ssyncset.done $0x0  }
0x41: {  	[sflag:s13] =	ssyncadd.s32 $0xFFFFC000  }
0x42: {  	[spmem:s1] =	stream.indirect.scatter.add.f32 [tilespmem:s12], [sflag:$0x2], $0x80, s11, s11, $0xb8;
	[tilespmem:$0x18100] =	vst v63  }
0x43: {  	_ =	swait.ge [sflag:s10], $0x4000  }
0x44: {  	[sflag:s10] =	ssyncset.done $0x0  }
0x45: {  	s14 =	sadd.s32 $0x1, s14;
	[sflag:s10] =	ssyncadd.s32 $0xFFFFC000  }
0x46: {  	s15 =	simm.s32 @!p0 $0x1C02;
	p1 =	sne.s32 s14, s6;
	[bflag:$0x0] =	sbarrier.arrive $0xFFFF  }
0x47: {  	[hbm:s5], [sflag:s15] =	dma.local @!p0 [spmem:s9], $0x28000  }
.Ltmp1:
0x48: {  	_ = 	snop;
	(pc) =	sbr.rel @p1 .LBB2_1-.Ltmp1, $4  }
0x49: {  	s15 =	simm.s32 @!p0 $0x2  }
0x4a: {  	_ =	swait.ge @!p0 [sflag:s15], $0x28000  }
0x4b: {  	[sflag:s15] =	ssyncset.done @!p0 $0x0  }
0x4c: {  	[sflag:s15] =	ssyncadd.s32 @!p0 $0xFFFD8000  }
0x4d: {  	_ =	sfence.sel $0x180000  }
0x4e: {  	[bflag:$0x0] =	sbarrier.arrive $0xFFFF  }
0x4f: {  	_ =	strace $0x9000004D  }
0x50: {  	s0 =	sadd.s32 @!p0 $0x100000, s0;
	[bflag:$0x2] =	sbarrier.arrive $0xFFFF  }
0x51: {  	[sflag:s0] =	ssyncadd.tile.s32 @!p0 $0x1;
	_ =	shalt  }
.Lfunc_end2:
_tile_overlayer_lowered:
.L_overlay_start_2:
0x52: {  	(tag) =	ssettag $0x2  }
0x53: {  	s0 =	rddreg [dreg:$0x0];
	s2 =	stileid.u32  }
0x54: {  	s1 =	rddreg [dreg:$0x1];
	p0 =	sne.s32 s2, $0x0  }
0x55: {  	s3 =	rddreg [dreg:$0x2];
	[bflag:$0x3] =	sbarrier.arrive $0xFFFF;
	s2 =	simm.s32 @!p0 $0x1C02  }
0x56: {  	[timem:s3], [sflag:s2] =	dma.local @!p0 [hbm:s0], s1  }
0x57: {  	s0 =	simm.s32 @!p0 $0x2  }
0x58: {  	_ =	swait.ge @!p0 [sflag:s0], s1  }
0x59: {  	s1 =	ssub.s32 @!p0 $0x0, s1;
	[sflag:s0] =	ssyncset.done @!p0 $0x0  }
0x5a: {  	[sflag:s0] =	ssyncadd.s32 @!p0 s1  }
0x5b: {  	[bflag:$0x3] =	sbarrier.arrive $0xFFFF  }
0x5c: {  	_ =	shalt  }

// kernel: kernel.19.cloned.1.call-start
scs
__scs_entry_jumppad:
0x0: {  	(pc) =	sbr.rel $0x88, $3  }
0x1: {  	(tag) =	ssettag $0x0;
	lr =	simm.s32 $0x1  }
0x2: {  	[smem:$0x3F96] =	sst lr;
	_ =	strace $0xD0000000  }
0x3: {  	_ = 	snop  }
0x4: {  	_ = 	snop  }
0x5: {  	_ = 	snop  }
0x6: {  	_ = 	snop  }
0x7: {  	_ = 	snop  }
__scs_overlays_trampoline_lowered:
0x8: {  	[smem:$0x3FA5] =	sst s0  }
0x9: {  	[smem:$0x3FA6] =	sst s1  }
0xa: {  	[smem:$0x3FA7] =	sst s2  }
0xb: {  	[smem:$0x3FA8] =	sst s3  }
0xc: {  	[smem:$0x3FA9] =	sst s4  }
0xd: {  	[smem:$0x3FAA] =	sst s5  }
0xe: {  	[smem:$0x3FAB] =	sst s6  }
0xf: {  	[smem:$0x3FAC] =	sst s7  }
0x10: {  	[smem:$0x3FAD] =	sst s8  }
0x11: {  	[smem:$0x3FAE] =	sst s9;
	s0 =	simm.s32 @!p0 $0x0  }
0x12: {  	s1 =	sld [smem:$0x3F94];
	s0 =	simm.s32 @p0 $0x1  }
0x13: {  	[smem:$0x3FAF] =	sst s0;
	s0 =	simm.s32 @!p1 $0x0  }
0x14: {  	s2 =	sld [smem:$0x3F93];
	s0 =	simm.s32 @p1 $0x1  }
0x15: {  	[smem:$0x3FB0] =	sst s0;
	s0 =	simm.s32 @!p2 $0x0  }
0x16: {  	s3 =	sld [smem:$0x3FDB];
	s0 =	simm.s32 @p2 $0x1  }
0x17: {  	s4 =	simm.s32 $0x1BF5;
	[smem:$0x3FB2] =	sst s0  }
0x18: {  	s0 =	sld [smem:$0x3F95];
	_ =	swait.ge [sflag:s4], $0x0  }
0x19: {  	s7 =	sld [smem:$0x3F96]  }
0x1a: {  	s8 =	sadd.s32 $0xFFFFE003, lr  }
0x1b: {  	s9 =	sadd.s32 $0xFFFFFEF7, lr;
	s5 =	simm.s32 $0xFFFFFFFF;
	p2 =	slt.u32 s8, $0xFFFFF086  }
0x1c: {  	p1 =	slt.u32 s9, $0xF7A;
	s5 =	simm.s32 @!p2 $0x0  }
0x1d: {  	s5 =	simm.s32 @p1 $0x1;
	p0 =	seq.s32 s7, s2  }
0x1e: {  	s7 =	smul.u32 @!p0 $0xF7A, s2;
	p2 =	seq.s32 @!p0 s5, $0x0  }
0x1f: {  	s9 =	smul.u32 $0xF7A, s1;
	s8 =	simm.s32 @!p0 $0x1BF5;
	p2 =	por !p2, p0  }
0x20: {  	[sflag:s8] =	ssyncset.s32 @!p0 $0xFFFFF086;
	s6 =	sadd.s32 @!p0 s3, s7;
	s7 =	simm.s32 @!p0 $0x108  }
0x21: {  	s3 =	sadd.s32 s3, s9;
	s6 =	sadd.s32 @!p0 $0x88, s6;
	s7 =	simm.s32 @p2 $0x1082  }
0x22: {  	[simem:s7], [sflag:s8] =	dma.local @!p0 [hbm:s6], $0xF7A  }
0x23: {  	s9 =	sor.u32 $0xD0000000, s2;
	s6 =	simm.s32 $0x108;
	_ =	swait.ge @!p0 [sflag:s8], $0x0  }
0x24: {  	s3 =	sadd.s32 $0x88, s3;
	s6 =	simm.s32 @!p1 $0x1082;
	[sflag:s4] =	ssyncset.s32 $0xFFFFF086  }
0x25: {  	[simem:s6], [sflag:s4] =	dma.local [hbm:s3], $0xF7A  }
0x26: {  	[smem:$0x3F96] =	sst s1;
	(tag) =	ssettag s2;
	_ =	strace s9  }
0x27: {  	s1 =	sld [smem:$0x3FA6]  }
0x28: {  	s2 =	sld [smem:$0x3FA7]  }
0x29: {  	s4 =	sld [smem:$0x3FA9]  }
0x2a: {  	p0 =	seq.s32 s5, $0x0;
	s5 =	sld [smem:$0x3FAA]  }
0x2b: {  	s6 =	sld [smem:$0x3FAB]  }
0x2c: {  	s7 =	sld [smem:$0x3FAC]  }
0x2d: {  	s3 =	simm.s32 $0x108;
	s8 =	sld [smem:$0x3FAD]  }
0x2e: {  	s3 =	simm.s32 @!p0 $0x1082;
	s9 =	sld [smem:$0x3FAE]  }
0x2f: {  	lr =	sadd.s32 s0, s3;
	s0 =	sld [smem:$0x3FA5]  }
0x30: {  	s3 =	sld [smem:$0x3FA8]  }
0x31: {  	[smem:$0x3FB1] =	sst s10  }
0x32: {  	s10 =	sld [smem:$0x3FAF];
	_ =	sdelay $0x3  }
0x33: {  	p0 =	seq.s32 s10, $0x1;
	s10 =	sld [smem:$0x3FB1];
	_ =	sdelay $0x3  }
0x34: {  	[smem:$0x3FB1] =	sst s10  }
0x35: {  	s10 =	sld [smem:$0x3FB0];
	_ =	sdelay $0x3  }
0x36: {  	p1 =	seq.s32 s10, $0x1;
	s10 =	sld [smem:$0x3FB1];
	_ =	sdelay $0x3  }
0x37: {  	[smem:$0x3FB1] =	sst s10  }
0x38: {  	s10 =	sld [smem:$0x3FB2]  }
0x39: {  	_ = 	snop;
	(pc) =	sbr.ind lr, $3  }
0x3a: {  	_ = 	snop  }
0x3b: {  	_ = 	snop  }
0x3c: {  	p2 =	seq.s32 s10, $0x1;
	s10 =	sld [smem:$0x3FB1]  }
0x3d: {  	_ =	shalt  }
0x3e: {  	_ =	shalt  }
0x3f: {  	_ =	shalt  }
0x40: {  	_ =	shalt  }
0x41: {  	_ =	shalt  }
0x42: {  	_ =	shalt  }
0x43: {  	_ =	shalt  }
0x44: {  	_ =	shalt  }
0x45: {  	_ =	shalt  }
0x46: {  	_ =	shalt  }
0x47: {  	_ =	shalt  }
0x48: {  	_ =	shalt  }
0x49: {  	_ =	shalt  }
0x4a: {  	_ =	shalt  }
0x4b: {  	_ =	shalt  }
0x4c: {  	_ =	shalt  }
0x4d: {  	_ =	shalt  }
0x4e: {  	_ =	shalt  }
0x4f: {  	_ =	shalt  }
0x50: {  	_ =	shalt  }
0x51: {  	_ =	shalt  }
0x52: {  	_ =	shalt  }
0x53: {  	_ =	shalt  }
0x54: {  	_ =	shalt  }
0x55: {  	_ =	shalt  }
0x56: {  	_ =	shalt  }
0x57: {  	_ =	shalt  }
0x58: {  	_ =	shalt  }
0x59: {  	_ =	shalt  }
0x5a: {  	_ =	shalt  }
0x5b: {  	_ =	shalt  }
0x5c: {  	_ =	shalt  }
0x5d: {  	_ =	shalt  }
0x5e: {  	_ =	shalt  }
0x5f: {  	_ =	shalt  }
0x60: {  	_ =	shalt  }
0x61: {  	_ =	shalt  }
0x62: {  	_ =	shalt  }
0x63: {  	_ =	shalt  }
0x64: {  	_ =	shalt  }
0x65: {  	_ =	shalt  }
0x66: {  	_ =	shalt  }
0x67: {  	_ =	shalt  }
0x68: {  	_ =	shalt  }
0x69: {  	_ =	shalt  }
0x6a: {  	_ =	shalt  }
0x6b: {  	_ =	shalt  }
0x6c: {  	_ =	shalt  }
0x6d: {  	_ =	shalt  }
0x6e: {  	_ =	shalt  }
0x6f: {  	_ =	shalt  }
0x70: {  	_ =	shalt  }
0x71: {  	_ =	shalt  }
0x72: {  	_ =	shalt  }
0x73: {  	_ =	shalt  }
0x74: {  	_ =	shalt  }
0x75: {  	_ =	shalt  }
0x76: {  	_ =	shalt  }
0x77: {  	_ =	shalt  }
0x78: {  	_ =	shalt  }
0x79: {  	_ =	shalt  }
0x7a: {  	_ =	shalt  }
0x7b: {  	_ =	shalt  }
0x7c: {  	_ =	shalt  }
0x7d: {  	_ =	shalt  }
0x7e: {  	_ =	shalt  }
0x7f: {  	_ =	shalt  }
0x80: {  	_ =	shalt  }
0x81: {  	_ =	shalt  }
0x82: {  	_ =	shalt  }
0x83: {  	_ =	shalt  }
0x84: {  	_ =	shalt  }
0x85: {  	_ =	shalt  }
0x86: {  	_ =	shalt  }
0x87: {  	_ =	shalt  }
.Lfunc_end0:
.L_simem_size_0:
called_computation.3_lowered:
.L_overlay_start_0:
0x88: {  	s2 =	sld [smem:$0x3FD9]  }
0x89: {  	s3 =	sld [smem:$0x3FFE];
	_ =	sdelay $0x1  }
0x8a: {  	s1 =	srdreg.scid  }
0x8b: {  	s0 =	sand.u32 $0x1, s1  }
0x8c: {  	s17 =	sshll.u32 s0, $0xA;
	s2 =	sadd.s32 s3, s2  }
0x8d: {  	s2 =	sadd.s32 s2, s17  }
0x8e: {  	[smem:$0x3FBD] =	sst s2  }
0x8f: {  	_ = 	snop  }
0x90: {  	s2 =	sld [smem:$0x3FD0];
	(tm) =	ssettm $0x1  }
0x91: {  	s18 =	sld [smem:$0x3FFB];
	_ =	sdelay $0x3  }
0x92: {  	_ =	strace s18  }
0x93: {  	s3 =	sld [smem:$0x3FFC];
	_ =	sdelay $0x3  }
0x94: {  	_ =	strace s3  }
0x95: {  	s3 =	sld [smem:$0x3FFD];
	_ =	sdelay $0x3  }
0x96: {  	_ =	strace s3  }
0x97: {  	_ =	strace $0x8FFFFFFF  }
0x98: {  	s19 =	sld [smem:$0x3FDB];
	_ =	sdelay $0x1  }
0x99: {  	s4 =	simm.s32 $_scs_section_size  }
0x9a: {  	s5 =	simm.s32 $_size__tile_overlayer_lowered;
	s6 =	simm.s32 $_tile_overlayer_lowered  }
0x9b: {  	s22 =	simm.s32 $0x1BFF;
	s21 =	sshll.u32 s6, $0x1;
	s3 =	sadd.s32 s4, s19  }
0x9c: {  	s7 =	simm.s32 $0x0;
	s20 =	sshll.u32 s5, $0x1;
	s5 =	sadd.s32 s21, s3  }
0x9d: {  	[timem:s7], [sflag:s22] =	dma.local [hbm:s5], s20  }
0x9e: {  	_ =	swait.ge [sflag:s22], s20  }
0x9f: {  	s4 =	ssub.s32 $0x0, s20;
	[sflag:s22] =	ssyncset.done $0x0  }
0xa0: {  	[sflag:s22] =	ssyncadd.s32 s4;
	_ =	sdelay $0x1  }
0xa1: {  	s23 =	simm.s32 $0x1B8B  }
0xa2: {  	_ =	swait.ge [sflag:s23], $0x1  }
0xa3: {  	[sflag:s23] =	ssyncset.done $0x0  }
0xa4: {  	s25 =	simm.s32 $0x1B8E;
	s24 =	sld [smem:$0x3FFE];
	[sflag:s23] =	ssyncadd.s32 $0xFFFFFFFF  }
0xa5: {  	s26 =	simm.s32 $execute0_lowered;
	[smem:$0x3FD2] =	sst s25  }
0xa6: {  	s5 =	sshll.u32 s26, $0x1;
	_ =	strace $0x8000004F;
	[dreg:$0x1] =	wrdreg $0xFFFFFFFF  }
0xa7: {  	s28 =	simm.s32 $_size_execute0_lowered;
	s3 =	sadd.s32 s3, s5;
	[dreg:$0x0] =	wrdreg $0x0  }
0xa8: {  	s5 =	sshll.u32 s28, $0x1;
	[dreg:$0x2] =	wrdreg s3  }
0xa9: {  	[dreg:$0x3] =	wrdreg s5  }
0xaa: {  	[dreg:$0x4] =	wrdreg $0xC0  }
0xab: {  	_ =	task [dreg:s7], $0x5FFFF  }
0xac: {  	[dreg:$0x1] =	wrdreg $0xFFFFFFFF  }
0xad: {  	[dreg:$0x0] =	wrdreg $0x60  }
0xae: {  	[dreg:$0x2] =	wrdreg s24  }
0xaf: {  	[dreg:$0x3] =	wrdreg s2  }
0xb0: {  	[dreg:$0x4] =	wrdreg $0x41000  }
0xb1: {  	[dreg:$0x5] =	wrdreg $0x9  }
0xb2: {  	_ =	task.clear_ibuf [dreg:s7], $0x6FFFF;
	_ =	strace $0x9000004F  }
0xb3: {  	s29 =	simm.s32 $0x9;
	_ =	strace $0x80000051  }
0xb4: {  	_ =	swait.ge [sflag:s29], $0x1  }
0xb5: {  	[sflag:s29] =	ssyncadd.s32 $0xFFFFFFFF  }
0xb6: {  	_ =	strace $0x90000051  }
0xb7: {  	_ =	sfence  }
0xb8: {  	s30 =	sld [smem:$0x0];
	_ =	sdelay $0x2  }
0xb9: {  	s31 =	sshll.u32 s1, $0xD;
	s1 =	sshrl.u32 s1, $0x2  }
0xba: {  	s3 =	sand.u32 $0x4000, s31;
	s1 =	sadd.s32 s1, s30  }
0xbb: {  	s0 =	sor.u32 s3, s0;
	s1 =	sshll.u32 s1, $0x11  }
0xbc: {  	s0 =	sor.u32 s1, s0  }
0xbd: {  	s0 =	sadd.s32 $0x8F2B, s0  }
0xbe: {  	[sflag:s0] =	ssyncadd.remote.s32 $0x1  }
0xbf: {  	_ =	sfence.sel $0xFFFF  }
0xc0: {  	[dreg:$0x0] =	wrdreg $0xFFFFFFFF;
	(pc) =	sbr.abs _section_cstart, $3  }
0xc1: {  	[dreg:$0x1] =	wrdreg $0xFFFFFFFF  }
0xc2: {  	_ =	task.clear_ibuf [dreg:s7], $0x2FFFF;
	_ =	strace $0x9FFFFFFF  }
0xc3: {  	(tm) =	ssettm $0x7FFFFFFF  }
tec
execute0_lowered:
.L_overlay_start_1:
0x0: {  	(tag) =	ssettag $0x1  }
0x1: {  	s5 =	rddreg [dreg:$0x0]  }
0x2: {  	s7 =	rddreg [dreg:$0x1]  }
0x3: {  	s1 =	rddreg [dreg:$0x2]  }
0x4: {  	s0 =	rddreg [dreg:$0x3];
	s2 =	simm.s32 $0x0;
	s3 =	srdreg.scid  }
0x5: {  	s9 =	stileid.u32;
	s13 =	simm.s32 $0x1;
	s14 =	simm.s32 $0x0  }
0x6: {  	[smem:$0x7FF] =	sst s2;
	s6 =	sand.u32 $0x1, s3;
	s8 =	sshll.u32 s9, $0x5  }
0x7: {  	s3 =	sadd.s32 $0x16E00, s5;
	s4 =	sadd.s32 $0x3FE00, s5;
	p0 =	sne.s32 s9, $0x0  }
0x8: {  	_ =	strace $0x80000050;
	s10 =	smul.u32 $0x28000, s6;
	s11 =	sadd.s32 s8, s5  }
0x9: {  	s12 =	ssub.s32 $0x2, s6;
	s30 =	sshll.u32 s6, $0x4;
	s7 =	sadd.s32 s8, s7  }
0xa: {  	s9 =	sshrl.u32 @!p0 s1, $0x3;
	s29 =	sshrl.u32 s12, $0x1;
	s31 =	sadd.s32 s30, s11  }
0xb: {  	s7 =	sadd.s32 s30, s7;
	s11 =	simm.s32 $0x80;
	s5 =	sadd.s32 s10, s5  }
0xc: {  	s10 =	ssub.s32 s12, s29;
	s8 =	sadd.s32 $0xCE00, s31;
	s12 =	simm.s32 $0x100  }
0xd: {  	s5 =	sadd.s32 $0x67E00, s5;
	s6 =	smax.u32 s10, $0x1;
	s10 =	simm.s32 $0x2  }
.LBB2_1:
0xe: {  	s15 =	simm.s32 @!p0 $0x1C02  }
0xf: {  	[spmem:s9], [sflag:s15] =	dma.local @!p0 [hbm:s4], $0x28000  }
0x10: {  	s15 =	simm.s32 @!p0 $0x2  }
0x11: {  	_ =	swait.ge @!p0 [sflag:s15], $0x28000  }
0x12: {  	[sflag:s15] =	ssyncset.done @!p0 $0x0  }
0x13: {  	[sflag:s15] =	ssyncadd.s32 @!p0 $0xFFFD8000  }
0x14: {  	s30 =	sadd.s32 $0x0, s7;
	[bflag:$0x0] =	sbarrier.arrive $0xFFFF  }
0x15: {  	[tilespmem:s2], [sflag:$0x2] =	stream.linear.gather [hbm4b:s30+s2], $0x80, $0x38;
	[tilespmem:$0x18100] =	vst v63  }
0x16: {  	_ =	swait.ge [sflag:s10], $0x80  }
0x17: {  	[sflag:s10] =	ssyncset.done $0x0  }
0x18: {  	s31 =	sadd.s32 $0x0, s8;
	[sflag:s10] =	ssyncadd.s32 $0xFFFFFF80  }
0x19: {  	[tilespmem:s11], [sflag:$0x2] =	stream.linear.gather [hbm4b:s31+s2], $0x80, $0x38;
	[tilespmem:$0x18100] =	vst v63  }
0x1a: {  	_ =	swait.ge [sflag:s10], $0x80  }
0x1b: {  	[sflag:s10] =	ssyncset.done $0x0  }
0x1c: {  	[sflag:s10] =	ssyncadd.s32 $0xFFFFFF80  }
0x1d: {  	[tilespmem:s12], [sflag:$0x1] =	stream.indirect.gather [hbm4b:s3+s11], $0x80, s2, s11, $0xb8;
	[tilespmem:$0x18100] =	vst v63  }
0x1e: {  	_ =	swait.ge [sflag:s13], $0x4000  }
0x1f: {  	[sflag:s13] =	ssyncset.done $0x0  }
0x20: {  	[sflag:s13] =	ssyncadd.s32 $0xFFFFC000  }
0x21: {  	[spmem:s1] =	stream.indirect.scatter.add.f32 [tilespmem:s12], [sflag:$0x2], $0x80, s11, s11, $0xb8;
	[tilespmem:$0x18100] =	vst v63  }
0x22: {  	_ =	swait.ge [sflag:s10], $0x4000  }
0x23: {  	s16 =	simm.s32 $0x400;
	s15 =	simm.s32 $0x200;
	[sflag:s10] =	ssyncset.done $0x0  }
.LBB2_2:
0x24: {  	s17 =	sadd.s32 s15, s7  }
0x25: {  	[sflag:s10] =	ssyncadd.s32 $0xFFFFC000;
	s18 =	smov.u32 s16;
	s19 =	sadd.s32 $0x200, s16  }
0x26: {  	[tilespmem:s2], [sflag:$0x2] =	stream.linear.gather [hbm4b:s17+s2], $0x80, $0x38;
	[tilespmem:$0x18100] =	vst v63  }
0x27: {  	p1 =	sne.s32 s16, $0x9E00;
	_ =	swait.ge [sflag:s10], $0x80  }
0x28: {  	[sflag:s10] =	ssyncset.done $0x0  }
0x29: {  	s16 =	sadd.s32 s15, s8;
	s15 =	smov.u32 s18;
	[sflag:s10] =	ssyncadd.s32 $0xFFFFFF80  }
0x2a: {  	[tilespmem:s11], [sflag:$0x2] =	stream.linear.gather [hbm4b:s16+s2], $0x80, $0x38;
	[tilespmem:$0x18100] =	vst v63  }
0x2b: {  	_ =	swait.ge [sflag:s10], $0x80  }
0x2c: {  	[sflag:s10] =	ssyncset.done $0x0  }
0x2d: {  	[sflag:s10] =	ssyncadd.s32 $0xFFFFFF80  }
0x2e: {  	[tilespmem:s12], [sflag:$0x1] =	stream.indirect.gather [hbm4b:s3+s11], $0x80, s2, s11, $0xb8;
	[tilespmem:$0x18100] =	vst v63  }
0x2f: {  	_ =	swait.ge [sflag:s13], $0x4000  }
.Ltmp0:
0x30: {  	[sflag:s13] =	ssyncset.done $0x0;
	(pc) =	sbr.rel @p1 .LBB2_2-.Ltmp0, $4  }
0x31: {  	[sflag:s13] =	ssyncadd.s32 $0xFFFFC000  }
0x32: {  	[spmem:s1] =	stream.indirect.scatter.add.f32 [tilespmem:s12], [sflag:$0x2], $0x80, s11, s11, $0xb8;
	[tilespmem:$0x18100] =	vst v63  }
0x33: {  	_ =	swait.ge [sflag:s10], $0x4000  }
0x34: {  	s16 =	smov.u32 s19;
	[sflag:s10] =	ssyncset.done $0x0  }
0x35: {  	s16 =	sadd.s32 s15, s7;
	[sflag:s10] =	ssyncadd.s32 $0xFFFFC000  }
0x36: {  	[tilespmem:s2], [sflag:$0x2] =	stream.linear.gather [hbm4b:s16+s2], $0x80, $0x38;
	[tilespmem:$0x18100] =	vst v63  }
0x37: {  	_ =	swait.ge [sflag:s10], $0x80  }
0x38: {  	[sflag:s10] =	ssyncset.done $0x0  }
0x39: {  	s31 =	sadd.s32 s15, s8;
	[sflag:s10] =	ssyncadd.s32 $0xFFFFFF80  }
0x3a: {  	[tilespmem:s11], [sflag:$0x2] =	stream.linear.gather [hbm4b:s31+s2], $0x80, $0x38;
	[tilespmem:$0x18100] =	vst v63  }
0x3b: {  	_ =	swait.ge [sflag:s10], $0x80  }
0x3c: {  	[sflag:s10] =	ssyncset.done $0x0  }
0x3d: {  	[sflag:s10] =	ssyncadd.s32 $0xFFFFFF80  }
0x3e: {  	[tilespmem:s12], [sflag:$0x1] =	stream.indirect.gather [hbm4b:s3+s11], $0x80, s2, s11, $0xb8;
	[tilespmem:$0x18100] =	vst v63  }
0x3f: {  	_ =	swait.ge [sflag:s13], $0x4000  }
0x40: {  	[sflag:s13] =	ssyncset.done $0x0  }
0x41: {  	[sflag:s13] =	ssyncadd.s32 $0xFFFFC000  }
0x42: {  	[spmem:s1] =	stream.indirect.scatter.add.f32 [tilespmem:s12], [sflag:$0x2], $0x80, s11, s11, $0xb8;
	[tilespmem:$0x18100] =	vst v63  }
0x43: {  	_ =	swait.ge [sflag:s10], $0x4000  }
0x44: {  	[sflag:s10] =	ssyncset.done $0x0  }
0x45: {  	s14 =	sadd.s32 $0x1, s14;
	[sflag:s10] =	ssyncadd.s32 $0xFFFFC000  }
0x46: {  	s15 =	simm.s32 @!p0 $0x1C02;
	p1 =	sne.s32 s14, s6;
	[bflag:$0x0] =	sbarrier.arrive $0xFFFF  }
0x47: {  	[hbm:s5], [sflag:s15] =	dma.local @!p0 [spmem:s9], $0x28000  }
.Ltmp1:
0x48: {  	_ = 	snop;
	(pc) =	sbr.rel @p1 .LBB2_1-.Ltmp1, $4  }
0x49: {  	s15 =	simm.s32 @!p0 $0x2  }
0x4a: {  	_ =	swait.ge @!p0 [sflag:s15], $0x28000  }
0x4b: {  	[sflag:s15] =	ssyncset.done @!p0 $0x0  }
0x4c: {  	[sflag:s15] =	ssyncadd.s32 @!p0 $0xFFFD8000  }
0x4d: {  	_ =	sfence.sel $0x180000  }
0x4e: {  	[bflag:$0x0] =	sbarrier.arrive $0xFFFF  }
0x4f: {  	_ =	strace $0x90000050  }
0x50: {  	s0 =	sadd.s32 @!p0 $0x100000, s0;
	[bflag:$0x2] =	sbarrier.arrive $0xFFFF  }
0x51: {  	[sflag:s0] =	ssyncadd.tile.s32 @!p0 $0x1;
	_ =	shalt  }
.Lfunc_end2:
_tile_overlayer_lowered:
.L_overlay_start_2:
0x52: {  	(tag) =	ssettag $0x2  }
0x53: {  	s0 =	rddreg [dreg:$0x0];
	s2 =	stileid.u32  }
0x54: {  	s1 =	rddreg [dreg:$0x1];
	p0 =	sne.s32 s2, $0x0  }
0x55: {  	s3 =	rddreg [dreg:$0x2];
	[bflag:$0x3] =	sbarrier.arrive $0xFFFF;
	s2 =	simm.s32 @!p0 $0x1C02  }
0x56: {  	[timem:s3], [sflag:s2] =	dma.local @!p0 [hbm:s0], s1  }
0x57: {  	s0 =	simm.s32 @!p0 $0x2  }
0x58: {  	_ =	swait.ge @!p0 [sflag:s0], s1  }
0x59: {  	s1 =	ssub.s32 @!p0 $0x0, s1;
	[sflag:s0] =	ssyncset.done @!p0 $0x0  }
0x5a: {  	[sflag:s0] =	ssyncadd.s32 @!p0 s1  }
0x5b: {  	[bflag:$0x3] =	sbarrier.arrive $0xFFFF  }
0x5c: {  	_ =	shalt  }

</sc_bundles>
